<compile_context>
chip_gen: v7x
topology: tpu7x:2x2x1
jax: 0.10.2.dev20260603
libtpu: 0.0.44.dev20260713+nightly
codegen_flags: <defaults>
</compile_context>

<pallas_src>
import functools

import jax
import jax.numpy as jnp
from jax import lax
from jax.experimental import pallas as pl
from jax.experimental.pallas import tpu as pltpu
from jax.experimental.pallas import tpu_sc as plsc

_NC = 2
_NS = 16
_NW = _NC * _NS
_CHUNK = 80


def _sc_segment_sum(feats, src, dst, zeros):
  N, D = feats.shape
  E = src.shape[0]
  per_tile = E // _NW
  n_chunks = per_tile // _CHUNK
  assert per_tile * _NW == E and n_chunks * _CHUNK == per_tile
  acc_rows = N + 256
  stripe = -(-N // _NS)
  stripe = ((stripe + 7) // 8) * 8

  mesh = plsc.VectorSubcoreMesh(
      core_axis_name="c", subcore_axis_name="s",
      num_cores=_NC, num_subcores=_NS)

  @functools.partial(
      pl.kernel,
      out_type=jax.ShapeDtypeStruct((_NC, N, D), jnp.float32),
      mesh=mesh,
      scratch_types=[
          pltpu.VMEM((8, _CHUNK), jnp.int32),
          pltpu.VMEM((8, _CHUNK), jnp.int32),
          pltpu.VMEM((4, _CHUNK, D), jnp.float32),
          pltpu.VMEM_SHARED((acc_rows, D), jnp.float32),
          pltpu.SemaphoreType.DMA((4,)),
          pltpu.SemaphoreType.DMA((8,)),
          pltpu.SemaphoreType.DMA((8,)),
          pltpu.SemaphoreType.DMA((4,)),
      ],
  )
  def k(feats_hbm, src_hbm, dst_hbm, zeros_hbm, out_hbm,
        src_v, dst_v, rows_v, acc_sh, gsem, ssem, dsem, csem):
    cid = lax.axis_index("c")
    sid = lax.axis_index("s")
    wid = sid * _NC + cid
    base = wid * per_tile

    def src_cp(j, islot):
      return pltpu.make_async_copy(
          src_hbm.at[pl.ds(base + j * _CHUNK, _CHUNK)], src_v.at[islot],
          ssem.at[islot])

    def dst_cp(j, islot):
      return pltpu.make_async_copy(
          dst_hbm.at[pl.ds(base + j * _CHUNK, _CHUNK)], dst_v.at[islot],
          dsem.at[islot])

    def gather_cp(islot, rslot):
      return pltpu.make_async_copy(
          feats_hbm.at[src_v.at[islot]], rows_v.at[rslot], gsem.at[rslot])

    def scatter_cp(islot, rslot):
      return pltpu.make_async_copy(
          rows_v.at[rslot], acc_sh.at[dst_v.at[islot]], csem.at[rslot])

    for t in range(4):
      src_cp(t, t).start()
      dst_cp(t, t).start()
    r0 = pl.multiple_of(jnp.minimum(sid * stripe, N - stripe), 8)
    pltpu.sync_copy(zeros_hbm.at[pl.ds(r0, stripe)],
                    acc_sh.at[pl.ds(r0, stripe)])
    plsc.subcore_barrier()

    for t in range(3):
      src_cp(t, t).wait()
      gather_cp(t, t).start()

    def body(j, _):
      islot = lax.rem(j, 8)
      rslot = lax.rem(j, 4)

      gather_cp(islot, rslot).wait()
      dst_cp(j, islot).wait()
      scatter_cp(islot, rslot).start(add=True)

      @pl.when(j + 3 < n_chunks)
      def _():
        @pl.when(j >= 1)
        def _():
          scatter_cp(lax.rem(j - 1, 8), lax.rem(j + 3, 4)).wait()
        src_cp(j + 3, lax.rem(j + 3, 8)).wait()
        gather_cp(lax.rem(j + 3, 8), lax.rem(j + 3, 4)).start()

      @pl.when(j + 4 < n_chunks)
      def _():
        src_cp(j + 4, lax.rem(j + 4, 8)).start()
        dst_cp(j + 4, lax.rem(j + 4, 8)).start()
      return 0
    lax.fori_loop(0, n_chunks, body, 0)
    scatter_cp(lax.rem(n_chunks - 4, 8), lax.rem(n_chunks - 4, 4)).wait()
    scatter_cp(lax.rem(n_chunks - 3, 8), lax.rem(n_chunks - 3, 4)).wait()
    scatter_cp(lax.rem(n_chunks - 2, 8), lax.rem(n_chunks - 2, 4)).wait()
    scatter_cp(lax.rem(n_chunks - 1, 8), lax.rem(n_chunks - 1, 4)).wait()

    plsc.subcore_barrier()
    pltpu.sync_copy(acc_sh.at[pl.ds(r0, stripe)],
                    out_hbm.at[cid, pl.ds(r0, stripe)])

  return k(feats, src, dst, zeros)


def _tc_mlp0(x, parts, W0a, b0a, W0b, b0b, blk):
  N, D = x.shape
  H = W0a.shape[1]
  grid = N // blk

  def body(x_ref, p_ref, wa_ref, ba_ref, wb_ref, bb_ref, o_ref):
    g = x_ref[...] + p_ref[0] + p_ref[1]
    h = jnp.dot(g, wa_ref[...], preferred_element_type=jnp.float32)
    h = jnp.maximum(h + ba_ref[...], 0.0)
    h = jnp.dot(h, wb_ref[...], preferred_element_type=jnp.float32)
    o_ref[...] = jnp.maximum(h + bb_ref[...], 0.0)

  return pl.pallas_call(
      body,
      grid=(grid,),
      in_specs=[
          pl.BlockSpec((blk, D), lambda i: (i, 0)),
          pl.BlockSpec((2, blk, D), lambda i: (0, i, 0)),
          pl.BlockSpec((D, H), lambda i: (0, 0)),
          pl.BlockSpec((1, H), lambda i: (0, 0)),
          pl.BlockSpec((H, H), lambda i: (0, 0)),
          pl.BlockSpec((1, H), lambda i: (0, 0)),
      ],
      out_specs=pl.BlockSpec((blk, H), lambda i: (i, 0)),
      out_shape=jax.ShapeDtypeStruct((N, H), jnp.float32),
  )(x, parts, W0a, b0a.reshape(1, H), W0b, b0b.reshape(1, H))


def _tc_mlp1_head(h, parts, W1a, b1a, W1b, b1b, Wl, bl, nbatch):
  N, H = h.shape
  O = W1a.shape[1]
  EMB = Wl.shape[1]
  blk = N // nbatch

  def body(h_ref, p_ref, wa_ref, ba_ref, wb_ref, bb_ref, wl_ref, bl_ref,
           o_ref):
    g = h_ref[...] + p_ref[0] + p_ref[1]
    s = jnp.dot(g, wa_ref[...], preferred_element_type=jnp.float32)
    s = jnp.maximum(s + ba_ref[...], 0.0)
    m = jnp.sum(s, axis=0, keepdims=True) * (1.0 / blk)
    t = jnp.dot(m, wb_ref[...], preferred_element_type=jnp.float32)
    t = t + bb_ref[...]
    o = jnp.dot(t, wl_ref[...], preferred_element_type=jnp.float32)
    o_ref[pl.ds(pl.program_id(0), 1), :] = o + bl_ref[...]

  return pl.pallas_call(
      body,
      grid=(nbatch,),
      in_specs=[
          pl.BlockSpec((blk, H), lambda i: (i, 0)),
          pl.BlockSpec((2, blk, H), lambda i: (0, i, 0)),
          pl.BlockSpec((H, O), lambda i: (0, 0)),
          pl.BlockSpec((1, O), lambda i: (0, 0)),
          pl.BlockSpec((O, O), lambda i: (0, 0)),
          pl.BlockSpec((1, O), lambda i: (0, 0)),
          pl.BlockSpec((O, EMB), lambda i: (0, 0)),
          pl.BlockSpec((1, EMB), lambda i: (0, 0)),
      ],
      out_specs=pl.BlockSpec((nbatch, EMB), lambda i: (0, 0)),
      out_shape=jax.ShapeDtypeStruct((nbatch, EMB), jnp.float32),
  )(h, parts, W1a, b1a.reshape(1, O), W1b, b1b.reshape(1, O),
    Wl, bl.reshape(1, EMB))


def kernel(x, edge_index, batch_size, W0a, b0a, W0b, b0b, W1a, b1a, W1b, b1b,
           Wl, bl):
  N, D = x.shape
  E = edge_index.shape[1]
  nbatch = 10

  grain = _NW * _CHUNK
  E_pad = -(-E // grain) * grain
  src = edge_index[0]
  dst = edge_index[1]
  if E_pad != E:
    npad = E_pad - E
    ar = jnp.arange(npad, dtype=jnp.int32)
    src = jnp.concatenate([src, ar % N])
    dst = jnp.concatenate([dst, N + (ar % 256)])
  zeros = jnp.zeros((N, D), jnp.float32)

  parts0 = _sc_segment_sum(x, src, dst, zeros)
  h = _tc_mlp0(x, parts0, W0a, b0a, W0b, b0b, blk=1000)
  parts1 = _sc_segment_sum(h, src, dst, zeros)
  out = _tc_mlp1_head(h, parts1, W1a, b1a, W1b, b1b, Wl, bl, nbatch)
  return out + (jnp.asarray(batch_size) * 0).astype(out.dtype)

# --- scband reference (transcript-rebuilt; emitter-appended) ---
"""Pipeline reference for scband-ginencoder-46540265619882 (READ-ONLY COPY).

The authoritative reference and input builder live on the scoring server;
editing this copy changes nothing except your own understanding.
"""

import jax, jax.numpy as jnp
import numpy as np


def _gin_conv(x, src, dst, W1, b1, W2, b2):
    # GINConv with eps=0: mlp((1+eps)*x + sum_{j in N(i)} x_j)
    msgs = x[src]
    aggr = jax.ops.segment_sum(msgs, dst, num_segments=x.shape[0])
    h = x + aggr
    h = h @ W1 + b1
    h = jax.nn.relu(h)
    h = h @ W2 + b2
    return h


def setup_inputs(seed: int = 0) -> dict:
    key = jax.random.key(seed)
    ks = jax.random.split(key, 12)
    N, E, D, H, O, EMB = 10000, 320000, 128, 128, 512, 128
    x = jax.random.normal(ks[0], (N, D), dtype=jnp.float32)
    edge_index = jax.random.randint(ks[1], (2, E), 0, N, dtype=jnp.int32)
    # conv0: MLP([128, 128, 128])
    W0a = jax.random.normal(ks[2], (D, H), dtype=jnp.float32) * (1.0 / np.sqrt(D))
    b0a = jnp.zeros((H,), dtype=jnp.float32)
    W0b = jax.random.normal(ks[3], (H, H), dtype=jnp.float32) * (1.0 / np.sqrt(H))
    b0b = jnp.zeros((H,), dtype=jnp.float32)
    # conv1 (to out_channels=512): MLP([128, 512, 512])
    W1a = jax.random.normal(ks[4], (H, O), dtype=jnp.float32) * (1.0 / np.sqrt(H))
    b1a = jnp.zeros((O,), dtype=jnp.float32)
    W1b = jax.random.normal(ks[5], (O, O), dtype=jnp.float32) * (1.0 / np.sqrt(O))
    b1b = jnp.zeros((O,), dtype=jnp.float32)
    # final linear 512 -> emb_dim=128
    Wl = jax.random.normal(ks[6], (O, EMB), dtype=jnp.float32) * (1.0 / np.sqrt(O))
    bl = jnp.zeros((EMB,), dtype=jnp.float32)
    return {"x": x, "edge_index": edge_index, "batch_size": 10,
            "W0a": W0a, "b0a": b0a, "W0b": W0b, "b0b": b0b,
            "W1a": W1a, "b1a": b1a, "W1b": W1b, "b1b": b1b,
            "Wl": Wl, "bl": bl}


def reference(x, edge_index, batch_size, W0a, b0a, W0b, b0b, W1a, b1a, W1b, b1b, Wl, bl):
    src = edge_index[0]
    dst = edge_index[1]
    # GIN layer 0 + act (dropout is identity in eval / p=0.0)
    h = _gin_conv(x, src, dst, W0a, b0a, W0b, b0b)
    h = jax.nn.relu(h)
    # GIN layer 1 (last layer, no activation)
    h = _gin_conv(h, src, dst, W1a, b1a, W1b, b1b)
    # reshape(batch_size, -1, 512).mean(dim=1)
    h = h.reshape(10, -1, h.shape[1])
    h = h.mean(axis=1)
    # final linear 512 -> 128
    out = h @ Wl + bl
    out = out + (jnp.asarray(batch_size) * 0).astype(out.dtype)
    return out

if __name__ == "__main__":
    import jax
    _d = setup_inputs()
    print(jax.jit(kernel)(*tuple(_d.values())))

</pallas_src>

<mosaic_0001>
#map = affine_map<(d0, d1) -> (0, 0)>
#map1 = affine_map<(d0, d1) -> (0)>
#map2 = affine_map<(d0, d1) -> (0, 0, 0)>
module attributes {stable_mosaic.version = 14 : i64} {
  func.func @k(%arg0: i32, %arg1: i32, %arg2: memref<10000x128xf32, #tpu.memory_space<hbm>>, %arg3: memref<320000xi32, #tpu.memory_space<hbm>>, %arg4: memref<320000xi32, #tpu.memory_space<hbm>>, %arg5: memref<10000x128xf32, #tpu.memory_space<hbm>>, %arg6: memref<2x10000x128xf32, #tpu.memory_space<hbm>>, %arg7: memref<8x80xi32, #tpu.memory_space<vmem>>, %arg8: memref<8x80xi32, #tpu.memory_space<vmem>>, %arg9: memref<4x80x128xf32, #tpu.memory_space<vmem>>, %arg10: memref<10256x128xf32, #tpu.memory_space<vmem_shared>>, %arg11: memref<4x!tpu.dma_semaphore, #tpu.memory_space<semaphore_mem>>, %arg12: memref<8x!tpu.dma_semaphore, #tpu.memory_space<semaphore_mem>>, %arg13: memref<8x!tpu.dma_semaphore, #tpu.memory_space<semaphore_mem>>, %arg14: memref<4x!tpu.dma_semaphore, #tpu.memory_space<semaphore_mem>>) attributes {dimension_semantics = [#tpu.dimension_semantics<core_parallel>, #tpu.dimension_semantics<subcore_parallel>], iteration_bounds = array<i64: 2, 16>, scalar_prefetch = 0 : i64, scratch_operands = 8 : i64, tpu.core_type = #tpu.core_type<sc_vector_subcore>, window_params = [{transform_indices = #map}, {transform_indices = #map1}, {transform_indices = #map1}, {transform_indices = #map}, {transform_indices = #map2}]} {
    %mul3A = arith.constant 2 : i32
    %mul3A_0 = arith.muli %arg1, %mul3A : i32
    %add3A = arith.addi %mul3A_0, %arg0 : i32
    %mul3A_1 = arith.constant 10000 : i32
    %mul3A_2 = arith.muli %add3A, %mul3A_1 : i32
    %add3A_3 = arith.constant 0 : i32
    %add3A_4 = arith.addi %mul3A_2, %add3A_3 : i32
    %dma_start3A = arith.constant 0 : i32
    %dma_start3A_5 = arith.constant 0 : i32
    %dma_start3A_6 = arith.constant 0 : i32
    %dma_start3A_7 = tpu.memref_slice %arg7[%dma_start3A, %dma_start3A_6] : memref<8x80xi32, #tpu.memory_space<vmem>> -> memref<1x80xi32, #tpu.memory_space<vmem>>
    %dma_start3A_8 = tpu.memref_squeeze %dma_start3A_7 : memref<1x80xi32, #tpu.memory_space<vmem>> -> memref<80xi32, #tpu.memory_space<vmem>>
    %dma_start3A_9 = tpu.memref_slice %arg3[%add3A_4] : memref<320000xi32, #tpu.memory_space<hbm>> -> memref<80xi32, #tpu.memory_space<hbm>>
    %dma_start3A_10 = tpu.memref_slice %arg12[%dma_start3A_5] : memref<8x!tpu.dma_semaphore, #tpu.memory_space<semaphore_mem>> -> memref<1x!tpu.dma_semaphore, #tpu.memory_space<semaphore_mem>>
    %dma_start3A_11 = tpu.memref_squeeze %dma_start3A_10 : memref<1x!tpu.dma_semaphore, #tpu.memory_space<semaphore_mem>> -> memref<!tpu.dma_semaphore, #tpu.memory_space<semaphore_mem>>
    %dma_start3A_12 = arith.constant 0 : i32
    %dma_start3A_13 = tpu.memref_slice %arg7[%dma_start3A, %dma_start3A_12] : memref<8x80xi32, #tpu.memory_space<vmem>> -> memref<1x80xi32, #tpu.memory_space<vmem>>
    %dma_start3A_14 = tpu.memref_squeeze %dma_start3A_13 : memref<1x80xi32, #tpu.memory_space<vmem>> -> memref<80xi32, #tpu.memory_space<vmem>>
    %dma_start3A_15 = tpu.memref_slice %arg3[%add3A_4] : memref<320000xi32, #tpu.memory_space<hbm>> -> memref<80xi32, #tpu.memory_space<hbm>>
    tpu.enqueue_dma source(%dma_start3A_15 : memref<80xi32, #tpu.memory_space<hbm>>) target(%dma_start3A_14 : memref<80xi32, #tpu.memory_space<vmem>>) target_semaphore(%dma_start3A_11 : memref<!tpu.dma_semaphore, #tpu.memory_space<semaphore_mem>>)
    %add3A_16 = arith.constant 0 : i32
    %add3A_17 = arith.addi %mul3A_2, %add3A_16 : i32
    %dma_start3A_18 = arith.constant 0 : i32
    %dma_start3A_19 = arith.constant 0 : i32
    %dma_start3A_20 = arith.constant 0 : i32
    %dma_start3A_21 = tpu.memref_slice %arg8[%dma_start3A_18, %dma_start3A_20] : memref<8x80xi32, #tpu.memory_space<vmem>> -> memref<1x80xi32, #tpu.memory_space<vmem>>
    %dma_start3A_22 = tpu.memref_squeeze %dma_start3A_21 : memref<1x80xi32, #tpu.memory_space<vmem>> -> memref<80xi32, #tpu.memory_space<vmem>>
    %dma_start3A_23 = tpu.memref_slice %arg4[%add3A_17] : memref<320000xi32, #tpu.memory_space<hbm>> -> memref<80xi32, #tpu.memory_space<hbm>>
    %dma_start3A_24 = tpu.memref_slice %arg13[%dma_start3A_19] : memref<8x!tpu.dma_semaphore, #tpu.memory_space<semaphore_mem>> -> memref<1x!tpu.dma_semaphore, #tpu.memory_space<semaphore_mem>>
    %dma_start3A_25 = tpu.memref_squeeze %dma_start3A_24 : memref<1x!tpu.dma_semaphore, #tpu.memory_space<semaphore_mem>> -> memref<!tpu.dma_semaphore, #tpu.memory_space<semaphore_mem>>
    %dma_start3A_26 = arith.constant 0 : i32
    %dma_start3A_27 = tpu.memref_slice %arg8[%dma_start3A_18, %dma_start3A_26] : memref<8x80xi32, #tpu.memory_space<vmem>> -> memref<1x80xi32, #tpu.memory_space<vmem>>
    %dma_start3A_28 = tpu.memref_squeeze %dma_start3A_27 : memref<1x80xi32, #tpu.memory_space<vmem>> -> memref<80xi32, #tpu.memory_space<vmem>>
    %dma_start3A_29 = tpu.memref_slice %arg4[%add3A_17] : memref<320000xi32, #tpu.memory_space<hbm>> -> memref<80xi32, #tpu.memory_space<hbm>>
    tpu.enqueue_dma source(%dma_start3A_29 : memref<80xi32, #tpu.memory_space<hbm>>) target(%dma_start3A_28 : memref<80xi32, #tpu.memory_space<vmem>>) target_semaphore(%dma_start3A_25 : memref<!tpu.dma_semaphore, #tpu.memory_space<semaphore_mem>>)
    %add3A_30 = arith.constant 80 : i32
    %add3A_31 = arith.addi %mul3A_2, %add3A_30 : i32
    %dma_start3A_32 = arith.constant 1 : i32
    %dma_start3A_33 = arith.constant 1 : i32
    %dma_start3A_34 = arith.constant 0 : i32
    %dma_start3A_35 = tpu.memref_slice %arg7[%dma_start3A_32, %dma_start3A_34] : memref<8x80xi32, #tpu.memory_space<vmem>> -> memref<1x80xi32, #tpu.memory_space<vmem>>
    %dma_start3A_36 = tpu.memref_squeeze %dma_start3A_35 : memref<1x80xi32, #tpu.memory_space<vmem>> -> memref<80xi32, #tpu.memory_space<vmem>>
    %dma_start3A_37 = tpu.memref_slice %arg3[%add3A_31] : memref<320000xi32, #tpu.memory_space<hbm>> -> memref<80xi32, #tpu.memory_space<hbm>>
    %dma_start3A_38 = tpu.memref_slice %arg12[%dma_start3A_33] : memref<8x!tpu.dma_semaphore, #tpu.memory_space<semaphore_mem>> -> memref<1x!tpu.dma_semaphore, #tpu.memory_space<semaphore_mem>>
    %dma_start3A_39 = tpu.memref_squeeze %dma_start3A_38 : memref<1x!tpu.dma_semaphore, #tpu.memory_space<semaphore_mem>> -> memref<!tpu.dma_semaphore, #tpu.memory_space<semaphore_mem>>
    %dma_start3A_40 = arith.constant 0 : i32
    %dma_start3A_41 = tpu.memref_slice %arg7[%dma_start3A_32, %dma_start3A_40] : memref<8x80xi32, #tpu.memory_space<vmem>> -> memref<1x80xi32, #tpu.memory_space<vmem>>
    %dma_start3A_42 = tpu.memref_squeeze %dma_start3A_41 : memref<1x80xi32, #tpu.memory_space<vmem>> -> memref<80xi32, #tpu.memory_space<vmem>>
    %dma_start3A_43 = tpu.memref_slice %arg3[%add3A_31] : memref<320000xi32, #tpu.memory_space<hbm>> -> memref<80xi32, #tpu.memory_space<hbm>>
    tpu.enqueue_dma source(%dma_start3A_43 : memref<80xi32, #tpu.memory_space<hbm>>) target(%dma_start3A_42 : memref<80xi32, #tpu.memory_space<vmem>>) target_semaphore(%dma_start3A_39 : memref<!tpu.dma_semaphore, #tpu.memory_space<semaphore_mem>>)
    %add3A_44 = arith.constant 80 : i32
    %add3A_45 = arith.addi %mul3A_2, %add3A_44 : i32
    %dma_start3A_46 = arith.constant 1 : i32
    %dma_start3A_47 = arith.constant 1 : i32
    %dma_start3A_48 = arith.constant 0 : i32
    %dma_start3A_49 = tpu.memref_slice %arg8[%dma_start3A_46, %dma_start3A_48] : memref<8x80xi32, #tpu.memory_space<vmem>> -> memref<1x80xi32, #tpu.memory_space<vmem>>
    %dma_start3A_50 = tpu.memref_squeeze %dma_start3A_49 : memref<1x80xi32, #tpu.memory_space<vmem>> -> memref<80xi32, #tpu.memory_space<vmem>>
    %dma_start3A_51 = tpu.memref_slice %arg4[%add3A_45] : memref<320000xi32, #tpu.memory_space<hbm>> -> memref<80xi32, #tpu.memory_space<hbm>>
    %dma_start3A_52 = tpu.memref_slice %arg13[%dma_start3A_47] : memref<8x!tpu.dma_semaphore, #tpu.memory_space<semaphore_mem>> -> memref<1x!tpu.dma_semaphore, #tpu.memory_space<semaphore_mem>>
    %dma_start3A_53 = tpu.memref_squeeze %dma_start3A_52 : memref<1x!tpu.dma_semaphore, #tpu.memory_space<semaphore_mem>> -> memref<!tpu.dma_semaphore, #tpu.memory_space<semaphore_mem>>
    %dma_start3A_54 = arith.constant 0 : i32
    %dma_start3A_55 = tpu.memref_slice %arg8[%dma_start3A_46, %dma_start3A_54] : memref<8x80xi32, #tpu.memory_space<vmem>> -> memref<1x80xi32, #tpu.memory_space<vmem>>
    %dma_start3A_56 = tpu.memref_squeeze %dma_start3A_55 : memref<1x80xi32, #tpu.memory_space<vmem>> -> memref<80xi32, #tpu.memory_space<vmem>>
    %dma_start3A_57 = tpu.memref_slice %arg4[%add3A_45] : memref<320000xi32, #tpu.memory_space<hbm>> -> memref<80xi32, #tpu.memory_space<hbm>>
    tpu.enqueue_dma source(%dma_start3A_57 : memref<80xi32, #tpu.memory_space<hbm>>) target(%dma_start3A_56 : memref<80xi32, #tpu.memory_space<vmem>>) target_semaphore(%dma_start3A_53 : memref<!tpu.dma_semaphore, #tpu.memory_space<semaphore_mem>>)
    %add3A_58 = arith.constant 160 : i32
    %add3A_59 = arith.addi %mul3A_2, %add3A_58 : i32
    %dma_start3A_60 = arith.constant 2 : i32
    %dma_start3A_61 = arith.constant 2 : i32
    %dma_start3A_62 = arith.constant 0 : i32
    %dma_start3A_63 = tpu.memref_slice %arg7[%dma_start3A_60, %dma_start3A_62] : memref<8x80xi32, #tpu.memory_space<vmem>> -> memref<1x80xi32, #tpu.memory_space<vmem>>
    %dma_start3A_64 = tpu.memref_squeeze %dma_start3A_63 : memref<1x80xi32, #tpu.memory_space<vmem>> -> memref<80xi32, #tpu.memory_space<vmem>>
    %dma_start3A_65 = tpu.memref_slice %arg3[%add3A_59] : memref<320000xi32, #tpu.memory_space<hbm>> -> memref<80xi32, #tpu.memory_space<hbm>>
    %dma_start3A_66 = tpu.memref_slice %arg12[%dma_start3A_61] : memref<8x!tpu.dma_semaphore, #tpu.memory_space<semaphore_mem>> -> memref<1x!tpu.dma_semaphore, #tpu.memory_space<semaphore_mem>>
    %dma_start3A_67 = tpu.memref_squeeze %dma_start3A_66 : memref<1x!tpu.dma_semaphore, #tpu.memory_space<semaphore_mem>> -> memref<!tpu.dma_semaphore, #tpu.memory_space<semaphore_mem>>
    %dma_start3A_68 = arith.constant 0 : i32
    %dma_start3A_69 = tpu.memref_slice %arg7[%dma_start3A_60, %dma_start3A_68] : memref<8x80xi32, #tpu.memory_space<vmem>> -> memref<1x80xi32, #tpu.memory_space<vmem>>
    %dma_start3A_70 = tpu.memref_squeeze %dma_start3A_69 : memref<1x80xi32, #tpu.memory_space<vmem>> -> memref<80xi32, #tpu.memory_space<vmem>>
    %dma_start3A_71 = tpu.memref_slice %arg3[%add3A_59] : memref<320000xi32, #tpu.memory_space<hbm>> -> memref<80xi32, #tpu.memory_space<hbm>>
    tpu.enqueue_dma source(%dma_start3A_71 : memref<80xi32, #tpu.memory_space<hbm>>) target(%dma_start3A_70 : memref<80xi32, #tpu.memory_space<vmem>>) target_semaphore(%dma_start3A_67 : memref<!tpu.dma_semaphore, #tpu.memory_space<semaphore_mem>>)
    %add3A_72 = arith.constant 160 : i32
    %add3A_73 = arith.addi %mul3A_2, %add3A_72 : i32
    %dma_start3A_74 = arith.constant 2 : i32
    %dma_start3A_75 = arith.constant 2 : i32
    %dma_start3A_76 = arith.constant 0 : i32
    %dma_start3A_77 = tpu.memref_slice %arg8[%dma_start3A_74, %dma_start3A_76] : memref<8x80xi32, #tpu.memory_space<vmem>> -> memref<1x80xi32, #tpu.memory_space<vmem>>
    %dma_start3A_78 = tpu.memref_squeeze %dma_start3A_77 : memref<1x80xi32, #tpu.memory_space<vmem>> -> memref<80xi32, #tpu.memory_space<vmem>>
    %dma_start3A_79 = tpu.memref_slice %arg4[%add3A_73] : memref<320000xi32, #tpu.memory_space<hbm>> -> memref<80xi32, #tpu.memory_space<hbm>>
    %dma_start3A_80 = tpu.memref_slice %arg13[%dma_start3A_75] : memref<8x!tpu.dma_semaphore, #tpu.memory_space<semaphore_mem>> -> memref<1x!tpu.dma_semaphore, #tpu.memory_space<semaphore_mem>>
    %dma_start3A_81 = tpu.memref_squeeze %dma_start3A_80 : memref<1x!tpu.dma_semaphore, #tpu.memory_space<semaphore_mem>> -> memref<!tpu.dma_semaphore, #tpu.memory_space<semaphore_mem>>
    %dma_start3A_82 = arith.constant 0 : i32
    %dma_start3A_83 = tpu.memref_slice %arg8[%dma_start3A_74, %dma_start3A_82] : memref<8x80xi32, #tpu.memory_space<vmem>> -> memref<1x80xi32, #tpu.memory_space<vmem>>
    %dma_start3A_84 = tpu.memref_squeeze %dma_start3A_83 : memref<1x80xi32, #tpu.memory_space<vmem>> -> memref<80xi32, #tpu.memory_space<vmem>>
    %dma_start3A_85 = tpu.memref_slice %arg4[%add3A_73] : memref<320000xi32, #tpu.memory_space<hbm>> -> memref<80xi32, #tpu.memory_space<hbm>>
    tpu.enqueue_dma source(%dma_start3A_85 : memref<80xi32, #tpu.memory_space<hbm>>) target(%dma_start3A_84 : memref<80xi32, #tpu.memory_space<vmem>>) target_semaphore(%dma_start3A_81 : memref<!tpu.dma_semaphore, #tpu.memory_space<semaphore_mem>>)
    %add3A_86 = arith.constant 240 : i32
    %add3A_87 = arith.addi %mul3A_2, %add3A_86 : i32
    %dma_start3A_88 = arith.constant 3 : i32
    %dma_start3A_89 = arith.constant 3 : i32
    %dma_start3A_90 = arith.constant 0 : i32
    %dma_start3A_91 = tpu.memref_slice %arg7[%dma_start3A_88, %dma_start3A_90] : memref<8x80xi32, #tpu.memory_space<vmem>> -> memref<1x80xi32, #tpu.memory_space<vmem>>
    %dma_start3A_92 = tpu.memref_squeeze %dma_start3A_91 : memref<1x80xi32, #tpu.memory_space<vmem>> -> memref<80xi32, #tpu.memory_space<vmem>>
    %dma_start3A_93 = tpu.memref_slice %arg3[%add3A_87] : memref<320000xi32, #tpu.memory_space<hbm>> -> memref<80xi32, #tpu.memory_space<hbm>>
    %dma_start3A_94 = tpu.memref_slice %arg12[%dma_start3A_89] : memref<8x!tpu.dma_semaphore, #tpu.memory_space<semaphore_mem>> -> memref<1x!tpu.dma_semaphore, #tpu.memory_space<semaphore_mem>>
    %dma_start3A_95 = tpu.memref_squeeze %dma_start3A_94 : memref<1x!tpu.dma_semaphore, #tpu.memory_space<semaphore_mem>> -> memref<!tpu.dma_semaphore, #tpu.memory_space<semaphore_mem>>
    %dma_start3A_96 = arith.constant 0 : i32
    %dma_start3A_97 = tpu.memref_slice %arg7[%dma_start3A_88, %dma_start3A_96] : memref<8x80xi32, #tpu.memory_space<vmem>> -> memref<1x80xi32, #tpu.memory_space<vmem>>
    %dma_start3A_98 = tpu.memref_squeeze %dma_start3A_97 : memref<1x80xi32, #tpu.memory_space<vmem>> -> memref<80xi32, #tpu.memory_space<vmem>>
    %dma_start3A_99 = tpu.memref_slice %arg3[%add3A_87] : memref<320000xi32, #tpu.memory_space<hbm>> -> memref<80xi32, #tpu.memory_space<hbm>>
    tpu.enqueue_dma source(%dma_start3A_99 : memref<80xi32, #tpu.memory_space<hbm>>) target(%dma_start3A_98 : memref<80xi32, #tpu.memory_space<vmem>>) target_semaphore(%dma_start3A_95 : memref<!tpu.dma_semaphore, #tpu.memory_space<semaphore_mem>>)
    %add3A_100 = arith.constant 240 : i32
    %add3A_101 = arith.addi %mul3A_2, %add3A_100 : i32
    %dma_start3A_102 = arith.constant 3 : i32
    %dma_start3A_103 = arith.constant 3 : i32
    %dma_start3A_104 = arith.constant 0 : i32
    %dma_start3A_105 = tpu.memref_slice %arg8[%dma_start3A_102, %dma_start3A_104] : memref<8x80xi32, #tpu.memory_space<vmem>> -> memref<1x80xi32, #tpu.memory_space<vmem>>
    %dma_start3A_106 = tpu.memref_squeeze %dma_start3A_105 : memref<1x80xi32, #tpu.memory_space<vmem>> -> memref<80xi32, #tpu.memory_space<vmem>>
    %dma_start3A_107 = tpu.memref_slice %arg4[%add3A_101] : memref<320000xi32, #tpu.memory_space<hbm>> -> memref<80xi32, #tpu.memory_space<hbm>>
    %dma_start3A_108 = tpu.memref_slice %arg13[%dma_start3A_103] : memref<8x!tpu.dma_semaphore, #tpu.memory_space<semaphore_mem>> -> memref<1x!tpu.dma_semaphore, #tpu.memory_space<semaphore_mem>>
    %dma_start3A_109 = tpu.memref_squeeze %dma_start3A_108 : memref<1x!tpu.dma_semaphore, #tpu.memory_space<semaphore_mem>> -> memref<!tpu.dma_semaphore, #tpu.memory_space<semaphore_mem>>
    %dma_start3A_110 = arith.constant 0 : i32
    %dma_start3A_111 = tpu.memref_slice %arg8[%dma_start3A_102, %dma_start3A_110] : memref<8x80xi32, #tpu.memory_space<vmem>> -> memref<1x80xi32, #tpu.memory_space<vmem>>
    %dma_start3A_112 = tpu.memref_squeeze %dma_start3A_111 : memref<1x80xi32, #tpu.memory_space<vmem>> -> memref<80xi32, #tpu.memory_space<vmem>>
    %dma_start3A_113 = tpu.memref_slice %arg4[%add3A_101] : memref<320000xi32, #tpu.memory_space<hbm>> -> memref<80xi32, #tpu.memory_space<hbm>>
    tpu.enqueue_dma source(%dma_start3A_113 : memref<80xi32, #tpu.memory_space<hbm>>) target(%dma_start3A_112 : memref<80xi32, #tpu.memory_space<vmem>>) target_semaphore(%dma_start3A_109 : memref<!tpu.dma_semaphore, #tpu.memory_space<semaphore_mem>>)
    %mul3A_114 = arith.constant 632 : i32
    %mul3A_115 = arith.muli %arg1, %mul3A_114 : i32
    %min3A = arith.constant 9368 : i32
    %min3A_116 = arith.minsi %mul3A_115, %min3A : i32
    %multiple_of3A = tpu.assume_multiple %min3A_116, 8 : i32
    "tpu.region"() ({
      %run_scoped3A = tpu.sem_alloc : memref<!tpu.dma_semaphore, #tpu.memory_space<semaphore_mem>>
      %dma_start3A_281 = arith.constant 0 : i32
      %dma_start3A_282 = tpu.memref_slice %arg10[%multiple_of3A, %dma_start3A_281] : memref<10256x128xf32, #tpu.memory_space<vmem_shared>> -> memref<632x128xf32, #tpu.memory_space<vmem_shared>>
      %dma_start3A_283 = arith.constant 0 : i32
      %dma_start3A_284 = tpu.memref_slice %arg5[%multiple_of3A, %dma_start3A_283] : memref<10000x128xf32, #tpu.memory_space<hbm>> -> memref<632x128xf32, #tpu.memory_space<hbm>>
      tpu.enqueue_dma source(%dma_start3A_284 : memref<632x128xf32, #tpu.memory_space<hbm>>) target(%dma_start3A_282 : memref<632x128xf32, #tpu.memory_space<vmem_shared>>) target_semaphore(%run_scoped3A : memref<!tpu.dma_semaphore, #tpu.memory_space<semaphore_mem>>)
      %dma_wait3A_285 = arith.constant 0 : i32
      %dma_wait3A_286 = tpu.memref_slice %arg10[%multiple_of3A, %dma_wait3A_285] : memref<10256x128xf32, #tpu.memory_space<vmem_shared>> -> memref<632x128xf32, #tpu.memory_space<vmem_shared>>
      %dma_wait3A_287 = arith.constant 0 : i32
      %dma_wait3A_288 = tpu.memref_slice %arg5[%multiple_of3A, %dma_wait3A_287] : memref<10000x128xf32, #tpu.memory_space<hbm>> -> memref<632x128xf32, #tpu.memory_space<hbm>>
      tpu.wait_dma2 semaphore(%run_scoped3A : memref<!tpu.dma_semaphore, #tpu.memory_space<semaphore_mem>>) src(%dma_wait3A_288 : memref<632x128xf32, #tpu.memory_space<hbm>>) dst(%dma_wait3A_286 : memref<632x128xf32, #tpu.memory_space<vmem_shared>>)
      tpu.yield
    }) : () -> ()
    %barrier3A = arith.constant 0 : index
    tpu.barrier barrier_id(%barrier3A)
    %add3A_117 = arith.constant 0 : i32
    %add3A_118 = arith.addi %mul3A_2, %add3A_117 : i32
    %dma_wait3A = arith.constant 0 : i32
    %dma_wait3A_119 = arith.constant 0 : i32
    %dma_wait3A_120 = arith.constant 0 : i32
    %dma_wait3A_121 = tpu.memref_slice %arg7[%dma_wait3A, %dma_wait3A_120] : memref<8x80xi32, #tpu.memory_space<vmem>> -> memref<1x80xi32, #tpu.memory_space<vmem>>
    %dma_wait3A_122 = tpu.memref_squeeze %dma_wait3A_121 : memref<1x80xi32, #tpu.memory_space<vmem>> -> memref<80xi32, #tpu.memory_space<vmem>>
    %dma_wait3A_123 = tpu.memref_slice %arg3[%add3A_118] : memref<320000xi32, #tpu.memory_space<hbm>> -> memref<80xi32, #tpu.memory_space<hbm>>
    %dma_wait3A_124 = tpu.memref_slice %arg12[%dma_wait3A_119] : memref<8x!tpu.dma_semaphore, #tpu.memory_space<semaphore_mem>> -> memref<1x!tpu.dma_semaphore, #tpu.memory_space<semaphore_mem>>
    %dma_wait3A_125 = tpu.memref_squeeze %dma_wait3A_124 : memref<1x!tpu.dma_semaphore, #tpu.memory_space<semaphore_mem>> -> memref<!tpu.dma_semaphore, #tpu.memory_space<semaphore_mem>>
    %dma_wait3A_126 = arith.constant 0 : i32
    %dma_wait3A_127 = tpu.memref_slice %arg7[%dma_wait3A, %dma_wait3A_126] : memref<8x80xi32, #tpu.memory_space<vmem>> -> memref<1x80xi32, #tpu.memory_space<vmem>>
    %dma_wait3A_128 = tpu.memref_squeeze %dma_wait3A_127 : memref<1x80xi32, #tpu.memory_space<vmem>> -> memref<80xi32, #tpu.memory_space<vmem>>
    %dma_wait3A_129 = tpu.memref_slice %arg3[%add3A_118] : memref<320000xi32, #tpu.memory_space<hbm>> -> memref<80xi32, #tpu.memory_space<hbm>>
    tpu.wait_dma2 semaphore(%dma_wait3A_125 : memref<!tpu.dma_semaphore, #tpu.memory_space<semaphore_mem>>) src(%dma_wait3A_129 : memref<80xi32, #tpu.memory_space<hbm>>) dst(%dma_wait3A_128 : memref<80xi32, #tpu.memory_space<vmem>>)
    %dma_start3A_130 = arith.constant 0 : i32
    %dma_start3A_131 = arith.constant 0 : i32
    %dma_start3A_132 = arith.constant 0 : i32
    %dma_start3A_133 = arith.constant 0 : i32
    %dma_start3A_134 = arith.constant 0 : i32
    %dma_start3A_135 = tpu.memref_slice %arg9[%dma_start3A_131, %dma_start3A_133, %dma_start3A_134] : memref<4x80x128xf32, #tpu.memory_space<vmem>> -> memref<1x80x128xf32, #tpu.memory_space<vmem>>
    %dma_start3A_136 = tpu.memref_squeeze %dma_start3A_135 : memref<1x80x128xf32, #tpu.memory_space<vmem>> -> memref<80x128xf32, #tpu.memory_space<vmem>>
    %dma_start3A_137 = arith.constant 0 : i32
    %dma_start3A_138 = tpu.memref_slice %arg7[%dma_start3A_130, %dma_start3A_137] : memref<8x80xi32, #tpu.memory_space<vmem>> -> memref<1x80xi32, #tpu.memory_space<vmem>>
    %dma_start3A_139 = tpu.memref_squeeze %dma_start3A_138 : memref<1x80xi32, #tpu.memory_space<vmem>> -> memref<80xi32, #tpu.memory_space<vmem>>
    %dma_start3A_140 = arith.constant 0 : i32
    %dma_start3A_141 = arith.constant 0 : i32
    %dma_start3A_142 = tpu.memref_slice %arg2[%dma_start3A_140, %dma_start3A_141] : memref<10000x128xf32, #tpu.memory_space<hbm>> -> memref<10000x128xf32, #tpu.memory_space<hbm>>
    %dma_start3A_143 = tpu.memref_slice %arg11[%dma_start3A_132] : memref<4x!tpu.dma_semaphore, #tpu.memory_space<semaphore_mem>> -> memref<1x!tpu.dma_semaphore, #tpu.memory_space<semaphore_mem>>
    %dma_start3A_144 = tpu.memref_squeeze %dma_start3A_143 : memref<1x!tpu.dma_semaphore, #tpu.memory_space<semaphore_mem>> -> memref<!tpu.dma_semaphore, #tpu.memory_space<semaphore_mem>>
    tpu.enqueue_indirect_dma source(%dma_start3A_142 : memref<10000x128xf32, #tpu.memory_space<hbm>>) target(%dma_start3A_136 : memref<80x128xf32, #tpu.memory_space<vmem>>) offsets(%dma_start3A_139 : memref<80xi32, #tpu.memory_space<vmem>>) semaphore(%dma_start3A_144 : memref<!tpu.dma_semaphore, #tpu.memory_space<semaphore_mem>>)
    %add3A_145 = arith.constant 80 : i32
    %add3A_146 = arith.addi %mul3A_2, %add3A_145 : i32
    %dma_wait3A_147 = arith.constant 1 : i32
    %dma_wait3A_148 = arith.constant 1 : i32
    %dma_wait3A_149 = arith.constant 0 : i32
    %dma_wait3A_150 = tpu.memref_slice %arg7[%dma_wait3A_147, %dma_wait3A_149] : memref<8x80xi32, #tpu.memory_space<vmem>> -> memref<1x80xi32, #tpu.memory_space<vmem>>
    %dma_wait3A_151 = tpu.memref_squeeze %dma_wait3A_150 : memref<1x80xi32, #tpu.memory_space<vmem>> -> memref<80xi32, #tpu.memory_space<vmem>>
    %dma_wait3A_152 = tpu.memref_slice %arg3[%add3A_146] : memref<320000xi32, #tpu.memory_space<hbm>> -> memref<80xi32, #tpu.memory_space<hbm>>
    %dma_wait3A_153 = tpu.memref_slice %arg12[%dma_wait3A_148] : memref<8x!tpu.dma_semaphore, #tpu.memory_space<semaphore_mem>> -> memref<1x!tpu.dma_semaphore, #tpu.memory_space<semaphore_mem>>
    %dma_wait3A_154 = tpu.memref_squeeze %dma_wait3A_153 : memref<1x!tpu.dma_semaphore, #tpu.memory_space<semaphore_mem>> -> memref<!tpu.dma_semaphore, #tpu.memory_space<semaphore_mem>>
    %dma_wait3A_155 = arith.constant 0 : i32
    %dma_wait3A_156 = tpu.memref_slice %arg7[%dma_wait3A_147, %dma_wait3A_155] : memref<8x80xi32, #tpu.memory_space<vmem>> -> memref<1x80xi32, #tpu.memory_space<vmem>>
    %dma_wait3A_157 = tpu.memref_squeeze %dma_wait3A_156 : memref<1x80xi32, #tpu.memory_space<vmem>> -> memref<80xi32, #tpu.memory_space<vmem>>
    %dma_wait3A_158 = tpu.memref_slice %arg3[%add3A_146] : memref<320000xi32, #tpu.memory_space<hbm>> -> memref<80xi32, #tpu.memory_space<hbm>>
    tpu.wait_dma2 semaphore(%dma_wait3A_154 : memref<!tpu.dma_semaphore, #tpu.memory_space<semaphore_mem>>) src(%dma_wait3A_158 : memref<80xi32, #tpu.memory_space<hbm>>) dst(%dma_wait3A_157 : memref<80xi32, #tpu.memory_space<vmem>>)
    %dma_start3A_159 = arith.constant 1 : i32
    %dma_start3A_160 = arith.constant 1 : i32
    %dma_start3A_161 = arith.constant 1 : i32
    %dma_start3A_162 = arith.constant 0 : i32
    %dma_start3A_163 = arith.constant 0 : i32
    %dma_start3A_164 = tpu.memref_slice %arg9[%dma_start3A_160, %dma_start3A_162, %dma_start3A_163] : memref<4x80x128xf32, #tpu.memory_space<vmem>> -> memref<1x80x128xf32, #tpu.memory_space<vmem>>
    %dma_start3A_165 = tpu.memref_squeeze %dma_start3A_164 : memref<1x80x128xf32, #tpu.memory_space<vmem>> -> memref<80x128xf32, #tpu.memory_space<vmem>>
    %dma_start3A_166 = arith.constant 0 : i32
    %dma_start3A_167 = tpu.memref_slice %arg7[%dma_start3A_159, %dma_start3A_166] : memref<8x80xi32, #tpu.memory_space<vmem>> -> memref<1x80xi32, #tpu.memory_space<vmem>>
    %dma_start3A_168 = tpu.memref_squeeze %dma_start3A_167 : memref<1x80xi32, #tpu.memory_space<vmem>> -> memref<80xi32, #tpu.memory_space<vmem>>
    %dma_start3A_169 = arith.constant 0 : i32
    %dma_start3A_170 = arith.constant 0 : i32
    %dma_start3A_171 = tpu.memref_slice %arg2[%dma_start3A_169, %dma_start3A_170] : memref<10000x128xf32, #tpu.memory_space<hbm>> -> memref<10000x128xf32, #tpu.memory_space<hbm>>
    %dma_start3A_172 = tpu.memref_slice %arg11[%dma_start3A_161] : memref<4x!tpu.dma_semaphore, #tpu.memory_space<semaphore_mem>> -> memref<1x!tpu.dma_semaphore, #tpu.memory_space<semaphore_mem>>
    %dma_start3A_173 = tpu.memref_squeeze %dma_start3A_172 : memref<1x!tpu.dma_semaphore, #tpu.memory_space<semaphore_mem>> -> memref<!tpu.dma_semaphore, #tpu.memory_space<semaphore_mem>>
    tpu.enqueue_indirect_dma source(%dma_start3A_171 : memref<10000x128xf32, #tpu.memory_space<hbm>>) target(%dma_start3A_165 : memref<80x128xf32, #tpu.memory_space<vmem>>) offsets(%dma_start3A_168 : memref<80xi32, #tpu.memory_space<vmem>>) semaphore(%dma_start3A_173 : memref<!tpu.dma_semaphore, #tpu.memory_space<semaphore_mem>>)
    %add3A_174 = arith.constant 160 : i32
    %add3A_175 = arith.addi %mul3A_2, %add3A_174 : i32
    %dma_wait3A_176 = arith.constant 2 : i32
    %dma_wait3A_177 = arith.constant 2 : i32
    %dma_wait3A_178 = arith.constant 0 : i32
    %dma_wait3A_179 = tpu.memref_slice %arg7[%dma_wait3A_176, %dma_wait3A_178] : memref<8x80xi32, #tpu.memory_space<vmem>> -> memref<1x80xi32, #tpu.memory_space<vmem>>
    %dma_wait3A_180 = tpu.memref_squeeze %dma_wait3A_179 : memref<1x80xi32, #tpu.memory_space<vmem>> -> memref<80xi32, #tpu.memory_space<vmem>>
    %dma_wait3A_181 = tpu.memref_slice %arg3[%add3A_175] : memref<320000xi32, #tpu.memory_space<hbm>> -> memref<80xi32, #tpu.memory_space<hbm>>
    %dma_wait3A_182 = tpu.memref_slice %arg12[%dma_wait3A_177] : memref<8x!tpu.dma_semaphore, #tpu.memory_space<semaphore_mem>> -> memref<1x!tpu.dma_semaphore, #tpu.memory_space<semaphore_mem>>
    %dma_wait3A_183 = tpu.memref_squeeze %dma_wait3A_182 : memref<1x!tpu.dma_semaphore, #tpu.memory_space<semaphore_mem>> -> memref<!tpu.dma_semaphore, #tpu.memory_space<semaphore_mem>>
    %dma_wait3A_184 = arith.constant 0 : i32
    %dma_wait3A_185 = tpu.memref_slice %arg7[%dma_wait3A_176, %dma_wait3A_184] : memref<8x80xi32, #tpu.memory_space<vmem>> -> memref<1x80xi32, #tpu.memory_space<vmem>>
    %dma_wait3A_186 = tpu.memref_squeeze %dma_wait3A_185 : memref<1x80xi32, #tpu.memory_space<vmem>> -> memref<80xi32, #tpu.memory_space<vmem>>
    %dma_wait3A_187 = tpu.memref_slice %arg3[%add3A_175] : memref<320000xi32, #tpu.memory_space<hbm>> -> memref<80xi32, #tpu.memory_space<hbm>>
    tpu.wait_dma2 semaphore(%dma_wait3A_183 : memref<!tpu.dma_semaphore, #tpu.memory_space<semaphore_mem>>) src(%dma_wait3A_187 : memref<80xi32, #tpu.memory_space<hbm>>) dst(%dma_wait3A_186 : memref<80xi32, #tpu.memory_space<vmem>>)
    %dma_start3A_188 = arith.constant 2 : i32
    %dma_start3A_189 = arith.constant 2 : i32
    %dma_start3A_190 = arith.constant 2 : i32
    %dma_start3A_191 = arith.constant 0 : i32
    %dma_start3A_192 = arith.constant 0 : i32
    %dma_start3A_193 = tpu.memref_slice %arg9[%dma_start3A_189, %dma_start3A_191, %dma_start3A_192] : memref<4x80x128xf32, #tpu.memory_space<vmem>> -> memref<1x80x128xf32, #tpu.memory_space<vmem>>
    %dma_start3A_194 = tpu.memref_squeeze %dma_start3A_193 : memref<1x80x128xf32, #tpu.memory_space<vmem>> -> memref<80x128xf32, #tpu.memory_space<vmem>>
    %dma_start3A_195 = arith.constant 0 : i32
    %dma_start3A_196 = tpu.memref_slice %arg7[%dma_start3A_188, %dma_start3A_195] : memref<8x80xi32, #tpu.memory_space<vmem>> -> memref<1x80xi32, #tpu.memory_space<vmem>>
    %dma_start3A_197 = tpu.memref_squeeze %dma_start3A_196 : memref<1x80xi32, #tpu.memory_space<vmem>> -> memref<80xi32, #tpu.memory_space<vmem>>
    %dma_start3A_198 = arith.constant 0 : i32
    %dma_start3A_199 = arith.constant 0 : i32
    %dma_start3A_200 = tpu.memref_slice %arg2[%dma_start3A_198, %dma_start3A_199] : memref<10000x128xf32, #tpu.memory_space<hbm>> -> memref<10000x128xf32, #tpu.memory_space<hbm>>
    %dma_start3A_201 = tpu.memref_slice %arg11[%dma_start3A_190] : memref<4x!tpu.dma_semaphore, #tpu.memory_space<semaphore_mem>> -> memref<1x!tpu.dma_semaphore, #tpu.memory_space<semaphore_mem>>
    %dma_start3A_202 = tpu.memref_squeeze %dma_start3A_201 : memref<1x!tpu.dma_semaphore, #tpu.memory_space<semaphore_mem>> -> memref<!tpu.dma_semaphore, #tpu.memory_space<semaphore_mem>>
    tpu.enqueue_indirect_dma source(%dma_start3A_200 : memref<10000x128xf32, #tpu.memory_space<hbm>>) target(%dma_start3A_194 : memref<80x128xf32, #tpu.memory_space<vmem>>) offsets(%dma_start3A_197 : memref<80xi32, #tpu.memory_space<vmem>>) semaphore(%dma_start3A_202 : memref<!tpu.dma_semaphore, #tpu.memory_space<semaphore_mem>>)
    %scan3A = arith.constant 0 : i32
    %scan3A_203 = arith.constant 0 : i32
    %scan3A_204 = arith.constant 125 : i32
    %scan3A_205 = arith.addi %scan3A_203, %scan3A_204 : i32
    %scan3A_206 = arith.constant 1 : i32
    %scan3A_207 = scf.for %scan3A_281 = %scan3A_203 to %scan3A_205 step %scan3A_206 iter_args(%scan3A_282 = %scan3A) -> (i32)  : i32 {
      %rem3A_283 = arith.constant 8 : i32
      %rem3A_284 = arith.remsi %scan3A_281, %rem3A_283 : i32
      %rem3A_285 = arith.constant 4 : i32
      %rem3A_286 = arith.remsi %scan3A_281, %rem3A_285 : i32
      %dma_wait3A_287 = arith.constant 0 : i32
      %dma_wait3A_288 = arith.constant 0 : i32
      %dma_wait3A_289 = tpu.memref_slice %arg9[%rem3A_286, %dma_wait3A_287, %dma_wait3A_288] : memref<4x80x128xf32, #tpu.memory_space<vmem>> -> memref<1x80x128xf32, #tpu.memory_space<vmem>>
      %dma_wait3A_290 = tpu.memref_squeeze %dma_wait3A_289 : memref<1x80x128xf32, #tpu.memory_space<vmem>> -> memref<80x128xf32, #tpu.memory_space<vmem>>
      %dma_wait3A_291 = arith.constant 0 : i32
      %dma_wait3A_292 = tpu.memref_slice %arg7[%rem3A_284, %dma_wait3A_291] : memref<8x80xi32, #tpu.memory_space<vmem>> -> memref<1x80xi32, #tpu.memory_space<vmem>>
      %dma_wait3A_293 = tpu.memref_squeeze %dma_wait3A_292 : memref<1x80xi32, #tpu.memory_space<vmem>> -> memref<80xi32, #tpu.memory_space<vmem>>
      %dma_wait3A_294 = arith.constant 0 : i32
      %dma_wait3A_295 = arith.constant 0 : i32
      %dma_wait3A_296 = tpu.memref_slice %arg2[%dma_wait3A_294, %dma_wait3A_295] : memref<10000x128xf32, #tpu.memory_space<hbm>> -> memref<10000x128xf32, #tpu.memory_space<hbm>>
      %dma_wait3A_297 = tpu.memref_slice %arg11[%rem3A_286] : memref<4x!tpu.dma_semaphore, #tpu.memory_space<semaphore_mem>> -> memref<1x!tpu.dma_semaphore, #tpu.memory_space<semaphore_mem>>
      %dma_wait3A_298 = tpu.memref_squeeze %dma_wait3A_297 : memref<1x!tpu.dma_semaphore, #tpu.memory_space<semaphore_mem>> -> memref<!tpu.dma_semaphore, #tpu.memory_space<semaphore_mem>>
      tpu.wait_indirect_dma semaphore(%dma_wait3A_298 : memref<!tpu.dma_semaphore, #tpu.memory_space<semaphore_mem>>) src(%dma_wait3A_296 : memref<10000x128xf32, #tpu.memory_space<hbm>>) dst(%dma_wait3A_290 : memref<80x128xf32, #tpu.memory_space<vmem>>)
      %mul3A_299 = arith.constant 80 : i32
      %mul3A_300 = arith.muli %scan3A_281, %mul3A_299 : i32
      %add3A_301 = arith.addi %mul3A_2, %mul3A_300 : i32
      %dma_wait3A_302 = arith.constant 0 : i32
      %dma_wait3A_303 = tpu.memref_slice %arg8[%rem3A_284, %dma_wait3A_302] : memref<8x80xi32, #tpu.memory_space<vmem>> -> memref<1x80xi32, #tpu.memory_space<vmem>>
      %dma_wait3A_304 = tpu.memref_squeeze %dma_wait3A_303 : memref<1x80xi32, #tpu.memory_space<vmem>> -> memref<80xi32, #tpu.memory_space<vmem>>
      %dma_wait3A_305 = tpu.memref_slice %arg4[%add3A_301] : memref<320000xi32, #tpu.memory_space<hbm>> -> memref<80xi32, #tpu.memory_space<hbm>>
      %dma_wait3A_306 = tpu.memref_slice %arg13[%rem3A_284] : memref<8x!tpu.dma_semaphore, #tpu.memory_space<semaphore_mem>> -> memref<1x!tpu.dma_semaphore, #tpu.memory_space<semaphore_mem>>
      %dma_wait3A_307 = tpu.memref_squeeze %dma_wait3A_306 : memref<1x!tpu.dma_semaphore, #tpu.memory_space<semaphore_mem>> -> memref<!tpu.dma_semaphore, #tpu.memory_space<semaphore_mem>>
      %dma_wait3A_308 = arith.constant 0 : i32
      %dma_wait3A_309 = tpu.memref_slice %arg8[%rem3A_284, %dma_wait3A_308] : memref<8x80xi32, #tpu.memory_space<vmem>> -> memref<1x80xi32, #tpu.memory_space<vmem>>
      %dma_wait3A_310 = tpu.memref_squeeze %dma_wait3A_309 : memref<1x80xi32, #tpu.memory_space<vmem>> -> memref<80xi32, #tpu.memory_space<vmem>>
      %dma_wait3A_311 = tpu.memref_slice %arg4[%add3A_301] : memref<320000xi32, #tpu.memory_space<hbm>> -> memref<80xi32, #tpu.memory_space<hbm>>
      tpu.wait_dma2 semaphore(%dma_wait3A_307 : memref<!tpu.dma_semaphore, #tpu.memory_space<semaphore_mem>>) src(%dma_wait3A_311 : memref<80xi32, #tpu.memory_space<hbm>>) dst(%dma_wait3A_310 : memref<80xi32, #tpu.memory_space<vmem>>)
      %dma_start3A_312 = arith.constant 0 : i32
      %dma_start3A_313 = arith.constant 0 : i32
      %dma_start3A_314 = tpu.memref_slice %arg9[%rem3A_286, %dma_start3A_312, %dma_start3A_313] : memref<4x80x128xf32, #tpu.memory_space<vmem>> -> memref<1x80x128xf32, #tpu.memory_space<vmem>>
      %dma_start3A_315 = tpu.memref_squeeze %dma_start3A_314 : memref<1x80x128xf32, #tpu.memory_space<vmem>> -> memref<80x128xf32, #tpu.memory_space<vmem>>
      %dma_start3A_316 = arith.constant 0 : i32
      %dma_start3A_317 = tpu.memref_slice %arg8[%rem3A_284, %dma_start3A_316] : memref<8x80xi32, #tpu.memory_space<vmem>> -> memref<1x80xi32, #tpu.memory_space<vmem>>
      %dma_start3A_318 = tpu.memref_squeeze %dma_start3A_317 : memref<1x80xi32, #tpu.memory_space<vmem>> -> memref<80xi32, #tpu.memory_space<vmem>>
      %dma_start3A_319 = arith.constant 0 : i32
      %dma_start3A_320 = arith.constant 0 : i32
      %dma_start3A_321 = tpu.memref_slice %arg10[%dma_start3A_319, %dma_start3A_320] : memref<10256x128xf32, #tpu.memory_space<vmem_shared>> -> memref<10256x128xf32, #tpu.memory_space<vmem_shared>>
      %dma_start3A_322 = tpu.memref_slice %arg14[%rem3A_286] : memref<4x!tpu.dma_semaphore, #tpu.memory_space<semaphore_mem>> -> memref<1x!tpu.dma_semaphore, #tpu.memory_space<semaphore_mem>>
      %dma_start3A_323 = tpu.memref_squeeze %dma_start3A_322 : memref<1x!tpu.dma_semaphore, #tpu.memory_space<semaphore_mem>> -> memref<!tpu.dma_semaphore, #tpu.memory_space<semaphore_mem>>
      tpu.enqueue_indirect_dma source(%dma_start3A_315 : memref<80x128xf32, #tpu.memory_space<vmem>>) target(%dma_start3A_321 : memref<10256x128xf32, #tpu.memory_space<vmem_shared>>) offsets(%dma_start3A_318 : memref<80xi32, #tpu.memory_space<vmem>>) semaphore(%dma_start3A_323 : memref<!tpu.dma_semaphore, #tpu.memory_space<semaphore_mem>>) {add = true}
      %add3A_324 = arith.constant 3 : i32
      %add3A_325 = arith.addi %scan3A_281, %add3A_324 : i32
      %lt3A = arith.constant 125 : i32
      %lt3A_326 = arith.cmpi slt, %add3A_325, %lt3A : i32
      %convert_element_type3A = arith.extui %lt3A_326 : i1 to i32
      %cond3A = arith.constant 0 : i32
      %cond3A_327 = arith.cmpi ne, %convert_element_type3A, %cond3A : i32
      scf.if %cond3A_327 {
        %ge3A = arith.constant 1 : i32
        %ge3A_336 = arith.cmpi sge, %scan3A_281, %ge3A : i32
        %convert_element_type3A_337 = arith.extui %ge3A_336 : i1 to i32
        %cond3A_338 = arith.constant 0 : i32
        %cond3A_339 = arith.cmpi ne, %convert_element_type3A_337, %cond3A_338 : i32
        scf.if %cond3A_339 {
          %sub3A = arith.constant 1 : i32
          %sub3A_379 = arith.subi %scan3A_281, %sub3A : i32
          %rem3A_380 = arith.constant 8 : i32
          %rem3A_381 = arith.remsi %sub3A_379, %rem3A_380 : i32
          %add3A_382 = arith.constant 3 : i32
          %add3A_383 = arith.addi %scan3A_281, %add3A_382 : i32
          %rem3A_384 = arith.constant 4 : i32
          %rem3A_385 = arith.remsi %add3A_383, %rem3A_384 : i32
          %dma_wait3A_386 = arith.constant 0 : i32
          %dma_wait3A_387 = arith.constant 0 : i32
          %dma_wait3A_388 = tpu.memref_slice %arg9[%rem3A_385, %dma_wait3A_386, %dma_wait3A_387] : memref<4x80x128xf32, #tpu.memory_space<vmem>> -> memref<1x80x128xf32, #tpu.memory_space<vmem>>
          %dma_wait3A_389 = tpu.memref_squeeze %dma_wait3A_388 : memref<1x80x128xf32, #tpu.memory_space<vmem>> -> memref<80x128xf32, #tpu.memory_space<vmem>>
          %dma_wait3A_390 = arith.constant 0 : i32
          %dma_wait3A_391 = tpu.memref_slice %arg8[%rem3A_381, %dma_wait3A_390] : memref<8x80xi32, #tpu.memory_space<vmem>> -> memref<1x80xi32, #tpu.memory_space<vmem>>
          %dma_wait3A_392 = tpu.memref_squeeze %dma_wait3A_391 : memref<1x80xi32, #tpu.memory_space<vmem>> -> memref<80xi32, #tpu.memory_space<vmem>>
          %dma_wait3A_393 = arith.constant 0 : i32
          %dma_wait3A_394 = arith.constant 0 : i32
          %dma_wait3A_395 = tpu.memref_slice %arg10[%dma_wait3A_393, %dma_wait3A_394] : memref<10256x128xf32, #tpu.memory_space<vmem_shared>> -> memref<10256x128xf32, #tpu.memory_space<vmem_shared>>
          %dma_wait3A_396 = tpu.memref_slice %arg14[%rem3A_385] : memref<4x!tpu.dma_semaphore, #tpu.memory_space<semaphore_mem>> -> memref<1x!tpu.dma_semaphore, #tpu.memory_space<semaphore_mem>>
          %dma_wait3A_397 = tpu.memref_squeeze %dma_wait3A_396 : memref<1x!tpu.dma_semaphore, #tpu.memory_space<semaphore_mem>> -> memref<!tpu.dma_semaphore, #tpu.memory_space<semaphore_mem>>
          tpu.wait_indirect_dma semaphore(%dma_wait3A_397 : memref<!tpu.dma_semaphore, #tpu.memory_space<semaphore_mem>>) src(%dma_wait3A_389 : memref<80x128xf32, #tpu.memory_space<vmem>>) dst(%dma_wait3A_395 : memref<10256x128xf32, #tpu.memory_space<vmem_shared>>)
        } else {
        }
        %add3A_340 = arith.constant 3 : i32
        %add3A_341 = arith.addi %scan3A_281, %add3A_340 : i32
        %add3A_342 = arith.constant 3 : i32
        %add3A_343 = arith.addi %scan3A_281, %add3A_342 : i32
        %rem3A_344 = arith.constant 8 : i32
        %rem3A_345 = arith.remsi %add3A_343, %rem3A_344 : i32
        %mul3A_346 = arith.constant 80 : i32
        %mul3A_347 = arith.muli %add3A_341, %mul3A_346 : i32
        %add3A_348 = arith.addi %mul3A_2, %mul3A_347 : i32
        %dma_wait3A_349 = arith.constant 0 : i32
        %dma_wait3A_350 = tpu.memref_slice %arg7[%rem3A_345, %dma_wait3A_349] : memref<8x80xi32, #tpu.memory_space<vmem>> -> memref<1x80xi32, #tpu.memory_space<vmem>>
        %dma_wait3A_351 = tpu.memref_squeeze %dma_wait3A_350 : memref<1x80xi32, #tpu.memory_space<vmem>> -> memref<80xi32, #tpu.memory_space<vmem>>
        %dma_wait3A_352 = tpu.memref_slice %arg3[%add3A_348] : memref<320000xi32, #tpu.memory_space<hbm>> -> memref<80xi32, #tpu.memory_space<hbm>>
        %dma_wait3A_353 = tpu.memref_slice %arg12[%rem3A_345] : memref<8x!tpu.dma_semaphore, #tpu.memory_space<semaphore_mem>> -> memref<1x!tpu.dma_semaphore, #tpu.memory_space<semaphore_mem>>
        %dma_wait3A_354 = tpu.memref_squeeze %dma_wait3A_353 : memref<1x!tpu.dma_semaphore, #tpu.memory_space<semaphore_mem>> -> memref<!tpu.dma_semaphore, #tpu.memory_space<semaphore_mem>>
        %dma_wait3A_355 = arith.constant 0 : i32
        %dma_wait3A_356 = tpu.memref_slice %arg7[%rem3A_345, %dma_wait3A_355] : memref<8x80xi32, #tpu.memory_space<vmem>> -> memref<1x80xi32, #tpu.memory_space<vmem>>
        %dma_wait3A_357 = tpu.memref_squeeze %dma_wait3A_356 : memref<1x80xi32, #tpu.memory_space<vmem>> -> memref<80xi32, #tpu.memory_space<vmem>>
        %dma_wait3A_358 = tpu.memref_slice %arg3[%add3A_348] : memref<320000xi32, #tpu.memory_space<hbm>> -> memref<80xi32, #tpu.memory_space<hbm>>
        tpu.wait_dma2 semaphore(%dma_wait3A_354 : memref<!tpu.dma_semaphore, #tpu.memory_space<semaphore_mem>>) src(%dma_wait3A_358 : memref<80xi32, #tpu.memory_space<hbm>>) dst(%dma_wait3A_357 : memref<80xi32, #tpu.memory_space<vmem>>)
        %add3A_359 = arith.constant 3 : i32
        %add3A_360 = arith.addi %scan3A_281, %add3A_359 : i32
        %rem3A_361 = arith.constant 8 : i32
        %rem3A_362 = arith.remsi %add3A_360, %rem3A_361 : i32
        %add3A_363 = arith.constant 3 : i32
        %add3A_364 = arith.addi %scan3A_281, %add3A_363 : i32
        %rem3A_365 = arith.constant 4 : i32
        %rem3A_366 = arith.remsi %add3A_364, %rem3A_365 : i32
        %dma_start3A_367 = arith.constant 0 : i32
        %dma_start3A_368 = arith.constant 0 : i32
        %dma_start3A_369 = tpu.memref_slice %arg9[%rem3A_366, %dma_start3A_367, %dma_start3A_368] : memref<4x80x128xf32, #tpu.memory_space<vmem>> -> memref<1x80x128xf32, #tpu.memory_space<vmem>>
        %dma_start3A_370 = tpu.memref_squeeze %dma_start3A_369 : memref<1x80x128xf32, #tpu.memory_space<vmem>> -> memref<80x128xf32, #tpu.memory_space<vmem>>
        %dma_start3A_371 = arith.constant 0 : i32
        %dma_start3A_372 = tpu.memref_slice %arg7[%rem3A_362, %dma_start3A_371] : memref<8x80xi32, #tpu.memory_space<vmem>> -> memref<1x80xi32, #tpu.memory_space<vmem>>
        %dma_start3A_373 = tpu.memref_squeeze %dma_start3A_372 : memref<1x80xi32, #tpu.memory_space<vmem>> -> memref<80xi32, #tpu.memory_space<vmem>>
        %dma_start3A_374 = arith.constant 0 : i32
        %dma_start3A_375 = arith.constant 0 : i32
        %dma_start3A_376 = tpu.memref_slice %arg2[%dma_start3A_374, %dma_start3A_375] : memref<10000x128xf32, #tpu.memory_space<hbm>> -> memref<10000x128xf32, #tpu.memory_space<hbm>>
        %dma_start3A_377 = tpu.memref_slice %arg11[%rem3A_366] : memref<4x!tpu.dma_semaphore, #tpu.memory_space<semaphore_mem>> -> memref<1x!tpu.dma_semaphore, #tpu.memory_space<semaphore_mem>>
        %dma_start3A_378 = tpu.memref_squeeze %dma_start3A_377 : memref<1x!tpu.dma_semaphore, #tpu.memory_space<semaphore_mem>> -> memref<!tpu.dma_semaphore, #tpu.memory_space<semaphore_mem>>
        tpu.enqueue_indirect_dma source(%dma_start3A_376 : memref<10000x128xf32, #tpu.memory_space<hbm>>) target(%dma_start3A_370 : memref<80x128xf32, #tpu.memory_space<vmem>>) offsets(%dma_start3A_373 : memref<80xi32, #tpu.memory_space<vmem>>) semaphore(%dma_start3A_378 : memref<!tpu.dma_semaphore, #tpu.memory_space<semaphore_mem>>)
      } else {
      }
      %add3A_328 = arith.constant 4 : i32
      %add3A_329 = arith.addi %scan3A_281, %add3A_328 : i32
      %lt3A_330 = arith.constant 125 : i32
      %lt3A_331 = arith.cmpi slt, %add3A_329, %lt3A_330 : i32
      %convert_element_type3A_332 = arith.extui %lt3A_331 : i1 to i32
      %cond3A_333 = arith.constant 0 : i32
      %cond3A_334 = arith.cmpi ne, %convert_element_type3A_332, %cond3A_333 : i32
      scf.if %cond3A_334 {
        %add3A_336 = arith.constant 4 : i32
        %add3A_337 = arith.addi %scan3A_281, %add3A_336 : i32
        %add3A_338 = arith.constant 4 : i32
        %add3A_339 = arith.addi %scan3A_281, %add3A_338 : i32
        %rem3A_340 = arith.constant 8 : i32
        %rem3A_341 = arith.remsi %add3A_339, %rem3A_340 : i32
        %mul3A_342 = arith.constant 80 : i32
        %mul3A_343 = arith.muli %add3A_337, %mul3A_342 : i32
        %add3A_344 = arith.addi %mul3A_2, %mul3A_343 : i32
        %dma_start3A_345 = arith.constant 0 : i32
        %dma_start3A_346 = tpu.memref_slice %arg7[%rem3A_341, %dma_start3A_345] : memref<8x80xi32, #tpu.memory_space<vmem>> -> memref<1x80xi32, #tpu.memory_space<vmem>>
        %dma_start3A_347 = tpu.memref_squeeze %dma_start3A_346 : memref<1x80xi32, #tpu.memory_space<vmem>> -> memref<80xi32, #tpu.memory_space<vmem>>
        %dma_start3A_348 = tpu.memref_slice %arg3[%add3A_344] : memref<320000xi32, #tpu.memory_space<hbm>> -> memref<80xi32, #tpu.memory_space<hbm>>
        %dma_start3A_349 = tpu.memref_slice %arg12[%rem3A_341] : memref<8x!tpu.dma_semaphore, #tpu.memory_space<semaphore_mem>> -> memref<1x!tpu.dma_semaphore, #tpu.memory_space<semaphore_mem>>
        %dma_start3A_350 = tpu.memref_squeeze %dma_start3A_349 : memref<1x!tpu.dma_semaphore, #tpu.memory_space<semaphore_mem>> -> memref<!tpu.dma_semaphore, #tpu.memory_space<semaphore_mem>>
        %dma_start3A_351 = arith.constant 0 : i32
        %dma_start3A_352 = tpu.memref_slice %arg7[%rem3A_341, %dma_start3A_351] : memref<8x80xi32, #tpu.memory_space<vmem>> -> memref<1x80xi32, #tpu.memory_space<vmem>>
        %dma_start3A_353 = tpu.memref_squeeze %dma_start3A_352 : memref<1x80xi32, #tpu.memory_space<vmem>> -> memref<80xi32, #tpu.memory_space<vmem>>
        %dma_start3A_354 = tpu.memref_slice %arg3[%add3A_344] : memref<320000xi32, #tpu.memory_space<hbm>> -> memref<80xi32, #tpu.memory_space<hbm>>
        tpu.enqueue_dma source(%dma_start3A_354 : memref<80xi32, #tpu.memory_space<hbm>>) target(%dma_start3A_353 : memref<80xi32, #tpu.memory_space<vmem>>) target_semaphore(%dma_start3A_350 : memref<!tpu.dma_semaphore, #tpu.memory_space<semaphore_mem>>)
        %add3A_355 = arith.constant 4 : i32
        %add3A_356 = arith.addi %scan3A_281, %add3A_355 : i32
        %add3A_357 = arith.constant 4 : i32
        %add3A_358 = arith.addi %scan3A_281, %add3A_357 : i32
        %rem3A_359 = arith.constant 8 : i32
        %rem3A_360 = arith.remsi %add3A_358, %rem3A_359 : i32
        %mul3A_361 = arith.constant 80 : i32
        %mul3A_362 = arith.muli %add3A_356, %mul3A_361 : i32
        %add3A_363 = arith.addi %mul3A_2, %mul3A_362 : i32
        %dma_start3A_364 = arith.constant 0 : i32
        %dma_start3A_365 = tpu.memref_slice %arg8[%rem3A_360, %dma_start3A_364] : memref<8x80xi32, #tpu.memory_space<vmem>> -> memref<1x80xi32, #tpu.memory_space<vmem>>
        %dma_start3A_366 = tpu.memref_squeeze %dma_start3A_365 : memref<1x80xi32, #tpu.memory_space<vmem>> -> memref<80xi32, #tpu.memory_space<vmem>>
        %dma_start3A_367 = tpu.memref_slice %arg4[%add3A_363] : memref<320000xi32, #tpu.memory_space<hbm>> -> memref<80xi32, #tpu.memory_space<hbm>>
        %dma_start3A_368 = tpu.memref_slice %arg13[%rem3A_360] : memref<8x!tpu.dma_semaphore, #tpu.memory_space<semaphore_mem>> -> memref<1x!tpu.dma_semaphore, #tpu.memory_space<semaphore_mem>>
        %dma_start3A_369 = tpu.memref_squeeze %dma_start3A_368 : memref<1x!tpu.dma_semaphore, #tpu.memory_space<semaphore_mem>> -> memref<!tpu.dma_semaphore, #tpu.memory_space<semaphore_mem>>
        %dma_start3A_370 = arith.constant 0 : i32
        %dma_start3A_371 = tpu.memref_slice %arg8[%rem3A_360, %dma_start3A_370] : memref<8x80xi32, #tpu.memory_space<vmem>> -> memref<1x80xi32, #tpu.memory_space<vmem>>
        %dma_start3A_372 = tpu.memref_squeeze %dma_start3A_371 : memref<1x80xi32, #tpu.memory_space<vmem>> -> memref<80xi32, #tpu.memory_space<vmem>>
        %dma_start3A_373 = tpu.memref_slice %arg4[%add3A_363] : memref<320000xi32, #tpu.memory_space<hbm>> -> memref<80xi32, #tpu.memory_space<hbm>>
        tpu.enqueue_dma source(%dma_start3A_373 : memref<80xi32, #tpu.memory_space<hbm>>) target(%dma_start3A_372 : memref<80xi32, #tpu.memory_space<vmem>>) target_semaphore(%dma_start3A_369 : memref<!tpu.dma_semaphore, #tpu.memory_space<semaphore_mem>>)
      } else {
      }
      %scan3A_335 = arith.constant 0 : i32
      scf.yield %scan3A_335 : i32
    }
    %scan3A_208 = arith.constant 125 : i32
    %rem3A = arith.constant 121 : i32
    %rem3A_209 = arith.constant 8 : i32
    %rem3A_210 = arith.remsi %rem3A, %rem3A_209 : i32
    %rem3A_211 = arith.constant 121 : i32
    %rem3A_212 = arith.constant 4 : i32
    %rem3A_213 = arith.remsi %rem3A_211, %rem3A_212 : i32
    %dma_wait3A_214 = arith.constant 0 : i32
    %dma_wait3A_215 = arith.constant 0 : i32
    %dma_wait3A_216 = tpu.memref_slice %arg9[%rem3A_213, %dma_wait3A_214, %dma_wait3A_215] : memref<4x80x128xf32, #tpu.memory_space<vmem>> -> memref<1x80x128xf32, #tpu.memory_space<vmem>>
    %dma_wait3A_217 = tpu.memref_squeeze %dma_wait3A_216 : memref<1x80x128xf32, #tpu.memory_space<vmem>> -> memref<80x128xf32, #tpu.memory_space<vmem>>
    %dma_wait3A_218 = arith.constant 0 : i32
    %dma_wait3A_219 = tpu.memref_slice %arg8[%rem3A_210, %dma_wait3A_218] : memref<8x80xi32, #tpu.memory_space<vmem>> -> memref<1x80xi32, #tpu.memory_space<vmem>>
    %dma_wait3A_220 = tpu.memref_squeeze %dma_wait3A_219 : memref<1x80xi32, #tpu.memory_space<vmem>> -> memref<80xi32, #tpu.memory_space<vmem>>
    %dma_wait3A_221 = arith.constant 0 : i32
    %dma_wait3A_222 = arith.constant 0 : i32
    %dma_wait3A_223 = tpu.memref_slice %arg10[%dma_wait3A_221, %dma_wait3A_222] : memref<10256x128xf32, #tpu.memory_space<vmem_shared>> -> memref<10256x128xf32, #tpu.memory_space<vmem_shared>>
    %dma_wait3A_224 = tpu.memref_slice %arg14[%rem3A_213] : memref<4x!tpu.dma_semaphore, #tpu.memory_space<semaphore_mem>> -> memref<1x!tpu.dma_semaphore, #tpu.memory_space<semaphore_mem>>
    %dma_wait3A_225 = tpu.memref_squeeze %dma_wait3A_224 : memref<1x!tpu.dma_semaphore, #tpu.memory_space<semaphore_mem>> -> memref<!tpu.dma_semaphore, #tpu.memory_space<semaphore_mem>>
    tpu.wait_indirect_dma semaphore(%dma_wait3A_225 : memref<!tpu.dma_semaphore, #tpu.memory_space<semaphore_mem>>) src(%dma_wait3A_217 : memref<80x128xf32, #tpu.memory_space<vmem>>) dst(%dma_wait3A_223 : memref<10256x128xf32, #tpu.memory_space<vmem_shared>>)
    %rem3A_226 = arith.constant 122 : i32
    %rem3A_227 = arith.constant 8 : i32
    %rem3A_228 = arith.remsi %rem3A_226, %rem3A_227 : i32
    %rem3A_229 = arith.constant 122 : i32
    %rem3A_230 = arith.constant 4 : i32
    %rem3A_231 = arith.remsi %rem3A_229, %rem3A_230 : i32
    %dma_wait3A_232 = arith.constant 0 : i32
    %dma_wait3A_233 = arith.constant 0 : i32
    %dma_wait3A_234 = tpu.memref_slice %arg9[%rem3A_231, %dma_wait3A_232, %dma_wait3A_233] : memref<4x80x128xf32, #tpu.memory_space<vmem>> -> memref<1x80x128xf32, #tpu.memory_space<vmem>>
    %dma_wait3A_235 = tpu.memref_squeeze %dma_wait3A_234 : memref<1x80x128xf32, #tpu.memory_space<vmem>> -> memref<80x128xf32, #tpu.memory_space<vmem>>
    %dma_wait3A_236 = arith.constant 0 : i32
    %dma_wait3A_237 = tpu.memref_slice %arg8[%rem3A_228, %dma_wait3A_236] : memref<8x80xi32, #tpu.memory_space<vmem>> -> memref<1x80xi32, #tpu.memory_space<vmem>>
    %dma_wait3A_238 = tpu.memref_squeeze %dma_wait3A_237 : memref<1x80xi32, #tpu.memory_space<vmem>> -> memref<80xi32, #tpu.memory_space<vmem>>
    %dma_wait3A_239 = arith.constant 0 : i32
    %dma_wait3A_240 = arith.constant 0 : i32
    %dma_wait3A_241 = tpu.memref_slice %arg10[%dma_wait3A_239, %dma_wait3A_240] : memref<10256x128xf32, #tpu.memory_space<vmem_shared>> -> memref<10256x128xf32, #tpu.memory_space<vmem_shared>>
    %dma_wait3A_242 = tpu.memref_slice %arg14[%rem3A_231] : memref<4x!tpu.dma_semaphore, #tpu.memory_space<semaphore_mem>> -> memref<1x!tpu.dma_semaphore, #tpu.memory_space<semaphore_mem>>
    %dma_wait3A_243 = tpu.memref_squeeze %dma_wait3A_242 : memref<1x!tpu.dma_semaphore, #tpu.memory_space<semaphore_mem>> -> memref<!tpu.dma_semaphore, #tpu.memory_space<semaphore_mem>>
    tpu.wait_indirect_dma semaphore(%dma_wait3A_243 : memref<!tpu.dma_semaphore, #tpu.memory_space<semaphore_mem>>) src(%dma_wait3A_235 : memref<80x128xf32, #tpu.memory_space<vmem>>) dst(%dma_wait3A_241 : memref<10256x128xf32, #tpu.memory_space<vmem_shared>>)
    %rem3A_244 = arith.constant 123 : i32
    %rem3A_245 = arith.constant 8 : i32
    %rem3A_246 = arith.remsi %rem3A_244, %rem3A_245 : i32
    %rem3A_247 = arith.constant 123 : i32
    %rem3A_248 = arith.constant 4 : i32
    %rem3A_249 = arith.remsi %rem3A_247, %rem3A_248 : i32
    %dma_wait3A_250 = arith.constant 0 : i32
    %dma_wait3A_251 = arith.constant 0 : i32
    %dma_wait3A_252 = tpu.memref_slice %arg9[%rem3A_249, %dma_wait3A_250, %dma_wait3A_251] : memref<4x80x128xf32, #tpu.memory_space<vmem>> -> memref<1x80x128xf32, #tpu.memory_space<vmem>>
    %dma_wait3A_253 = tpu.memref_squeeze %dma_wait3A_252 : memref<1x80x128xf32, #tpu.memory_space<vmem>> -> memref<80x128xf32, #tpu.memory_space<vmem>>
    %dma_wait3A_254 = arith.constant 0 : i32
    %dma_wait3A_255 = tpu.memref_slice %arg8[%rem3A_246, %dma_wait3A_254] : memref<8x80xi32, #tpu.memory_space<vmem>> -> memref<1x80xi32, #tpu.memory_space<vmem>>
    %dma_wait3A_256 = tpu.memref_squeeze %dma_wait3A_255 : memref<1x80xi32, #tpu.memory_space<vmem>> -> memref<80xi32, #tpu.memory_space<vmem>>
    %dma_wait3A_257 = arith.constant 0 : i32
    %dma_wait3A_258 = arith.constant 0 : i32
    %dma_wait3A_259 = tpu.memref_slice %arg10[%dma_wait3A_257, %dma_wait3A_258] : memref<10256x128xf32, #tpu.memory_space<vmem_shared>> -> memref<10256x128xf32, #tpu.memory_space<vmem_shared>>
    %dma_wait3A_260 = tpu.memref_slice %arg14[%rem3A_249] : memref<4x!tpu.dma_semaphore, #tpu.memory_space<semaphore_mem>> -> memref<1x!tpu.dma_semaphore, #tpu.memory_space<semaphore_mem>>
    %dma_wait3A_261 = tpu.memref_squeeze %dma_wait3A_260 : memref<1x!tpu.dma_semaphore, #tpu.memory_space<semaphore_mem>> -> memref<!tpu.dma_semaphore, #tpu.memory_space<semaphore_mem>>
    tpu.wait_indirect_dma semaphore(%dma_wait3A_261 : memref<!tpu.dma_semaphore, #tpu.memory_space<semaphore_mem>>) src(%dma_wait3A_253 : memref<80x128xf32, #tpu.memory_space<vmem>>) dst(%dma_wait3A_259 : memref<10256x128xf32, #tpu.memory_space<vmem_shared>>)
    %rem3A_262 = arith.constant 124 : i32
    %rem3A_263 = arith.constant 8 : i32
    %rem3A_264 = arith.remsi %rem3A_262, %rem3A_263 : i32
    %rem3A_265 = arith.constant 124 : i32
    %rem3A_266 = arith.constant 4 : i32
    %rem3A_267 = arith.remsi %rem3A_265, %rem3A_266 : i32
    %dma_wait3A_268 = arith.constant 0 : i32
    %dma_wait3A_269 = arith.constant 0 : i32
    %dma_wait3A_270 = tpu.memref_slice %arg9[%rem3A_267, %dma_wait3A_268, %dma_wait3A_269] : memref<4x80x128xf32, #tpu.memory_space<vmem>> -> memref<1x80x128xf32, #tpu.memory_space<vmem>>
    %dma_wait3A_271 = tpu.memref_squeeze %dma_wait3A_270 : memref<1x80x128xf32, #tpu.memory_space<vmem>> -> memref<80x128xf32, #tpu.memory_space<vmem>>
    %dma_wait3A_272 = arith.constant 0 : i32
    %dma_wait3A_273 = tpu.memref_slice %arg8[%rem3A_264, %dma_wait3A_272] : memref<8x80xi32, #tpu.memory_space<vmem>> -> memref<1x80xi32, #tpu.memory_space<vmem>>
    %dma_wait3A_274 = tpu.memref_squeeze %dma_wait3A_273 : memref<1x80xi32, #tpu.memory_space<vmem>> -> memref<80xi32, #tpu.memory_space<vmem>>
    %dma_wait3A_275 = arith.constant 0 : i32
    %dma_wait3A_276 = arith.constant 0 : i32
    %dma_wait3A_277 = tpu.memref_slice %arg10[%dma_wait3A_275, %dma_wait3A_276] : memref<10256x128xf32, #tpu.memory_space<vmem_shared>> -> memref<10256x128xf32, #tpu.memory_space<vmem_shared>>
    %dma_wait3A_278 = tpu.memref_slice %arg14[%rem3A_267] : memref<4x!tpu.dma_semaphore, #tpu.memory_space<semaphore_mem>> -> memref<1x!tpu.dma_semaphore, #tpu.memory_space<semaphore_mem>>
    %dma_wait3A_279 = tpu.memref_squeeze %dma_wait3A_278 : memref<1x!tpu.dma_semaphore, #tpu.memory_space<semaphore_mem>> -> memref<!tpu.dma_semaphore, #tpu.memory_space<semaphore_mem>>
    tpu.wait_indirect_dma semaphore(%dma_wait3A_279 : memref<!tpu.dma_semaphore, #tpu.memory_space<semaphore_mem>>) src(%dma_wait3A_271 : memref<80x128xf32, #tpu.memory_space<vmem>>) dst(%dma_wait3A_277 : memref<10256x128xf32, #tpu.memory_space<vmem_shared>>)
    %barrier3A_280 = arith.constant 0 : index
    tpu.barrier barrier_id(%barrier3A_280)
    "tpu.region"() ({
      %run_scoped3A = tpu.sem_alloc : memref<!tpu.dma_semaphore, #tpu.memory_space<semaphore_mem>>
      %dma_start3A_281 = arith.constant 0 : i32
      %dma_start3A_282 = tpu.memref_slice %arg6[%arg0, %multiple_of3A, %dma_start3A_281] : memref<2x10000x128xf32, #tpu.memory_space<hbm>> -> memref<1x632x128xf32, #tpu.memory_space<hbm>>
      %dma_start3A_283 = tpu.memref_squeeze %dma_start3A_282 : memref<1x632x128xf32, #tpu.memory_space<hbm>> -> memref<632x128xf32, #tpu.memory_space<hbm>>
      %dma_start3A_284 = arith.constant 0 : i32
      %dma_start3A_285 = tpu.memref_slice %arg10[%multiple_of3A, %dma_start3A_284] : memref<10256x128xf32, #tpu.memory_space<vmem_shared>> -> memref<632x128xf32, #tpu.memory_space<vmem_shared>>
      tpu.enqueue_dma source(%dma_start3A_285 : memref<632x128xf32, #tpu.memory_space<vmem_shared>>) target(%dma_start3A_283 : memref<632x128xf32, #tpu.memory_space<hbm>>) target_semaphore(%run_scoped3A : memref<!tpu.dma_semaphore, #tpu.memory_space<semaphore_mem>>)
      %dma_wait3A_286 = arith.constant 0 : i32
      %dma_wait3A_287 = tpu.memref_slice %arg6[%arg0, %multiple_of3A, %dma_wait3A_286] : memref<2x10000x128xf32, #tpu.memory_space<hbm>> -> memref<1x632x128xf32, #tpu.memory_space<hbm>>
      %dma_wait3A_288 = tpu.memref_squeeze %dma_wait3A_287 : memref<1x632x128xf32, #tpu.memory_space<hbm>> -> memref<632x128xf32, #tpu.memory_space<hbm>>
      %dma_wait3A_289 = arith.constant 0 : i32
      %dma_wait3A_290 = tpu.memref_slice %arg10[%multiple_of3A, %dma_wait3A_289] : memref<10256x128xf32, #tpu.memory_space<vmem_shared>> -> memref<632x128xf32, #tpu.memory_space<vmem_shared>>
      tpu.wait_dma2 semaphore(%run_scoped3A : memref<!tpu.dma_semaphore, #tpu.memory_space<semaphore_mem>>) src(%dma_wait3A_290 : memref<632x128xf32, #tpu.memory_space<vmem_shared>>) dst(%dma_wait3A_288 : memref<632x128xf32, #tpu.memory_space<hbm>>)
      tpu.yield
    }) : () -> ()
    return
  }
}

#map = affine_map<(d0, d1) -> (0, 0)>
#map1 = affine_map<(d0, d1) -> (0)>
#map2 = affine_map<(d0, d1) -> (0, 0, 0)>
module attributes {stable_mosaic.version = 14 : i64} {
  func.func @k(%arg0: i32, %arg1: i32, %arg2: memref<10000x128xf32, #tpu.memory_space<hbm>>, %arg3: memref<320000xi32, #tpu.memory_space<hbm>>, %arg4: memref<320000xi32, #tpu.memory_space<hbm>>, %arg5: memref<10000x128xf32, #tpu.memory_space<hbm>>, %arg6: memref<2x10000x128xf32, #tpu.memory_space<hbm>>, %arg7: memref<8x80xi32, #tpu.memory_space<vmem>>, %arg8: memref<8x80xi32, #tpu.memory_space<vmem>>, %arg9: memref<4x80x128xf32, #tpu.memory_space<vmem>>, %arg10: memref<10256x128xf32, #tpu.memory_space<vmem_shared>>, %arg11: memref<4x!tpu.dma_semaphore, #tpu.memory_space<semaphore_mem>>, %arg12: memref<8x!tpu.dma_semaphore, #tpu.memory_space<semaphore_mem>>, %arg13: memref<8x!tpu.dma_semaphore, #tpu.memory_space<semaphore_mem>>, %arg14: memref<4x!tpu.dma_semaphore, #tpu.memory_space<semaphore_mem>>) attributes {dimension_semantics = [#tpu.dimension_semantics<core_parallel>, #tpu.dimension_semantics<subcore_parallel>], iteration_bounds = array<i64: 2, 16>, scalar_prefetch = 0 : i64, scratch_operands = 8 : i64, tpu.core_type = #tpu.core_type<sc_vector_subcore>, window_params = [{transform_indices = #map}, {transform_indices = #map1}, {transform_indices = #map1}, {transform_indices = #map}, {transform_indices = #map2}]} {
    %mul3A = arith.constant 2 : i32
    %mul3A_0 = arith.muli %arg1, %mul3A : i32
    %add3A = arith.addi %mul3A_0, %arg0 : i32
    %mul3A_1 = arith.constant 10000 : i32
    %mul3A_2 = arith.muli %add3A, %mul3A_1 : i32
    %add3A_3 = arith.constant 0 : i32
    %add3A_4 = arith.addi %mul3A_2, %add3A_3 : i32
    %dma_start3A = arith.constant 0 : i32
    %dma_start3A_5 = arith.constant 0 : i32
    %dma_start3A_6 = arith.constant 0 : i32
    %dma_start3A_7 = tpu.memref_slice %arg7[%dma_start3A, %dma_start3A_6] : memref<8x80xi32, #tpu.memory_space<vmem>> -> memref<1x80xi32, #tpu.memory_space<vmem>>
    %dma_start3A_8 = tpu.memref_squeeze %dma_start3A_7 : memref<1x80xi32, #tpu.memory_space<vmem>> -> memref<80xi32, #tpu.memory_space<vmem>>
    %dma_start3A_9 = tpu.memref_slice %arg3[%add3A_4] : memref<320000xi32, #tpu.memory_space<hbm>> -> memref<80xi32, #tpu.memory_space<hbm>>
    %dma_start3A_10 = tpu.memref_slice %arg12[%dma_start3A_5] : memref<8x!tpu.dma_semaphore, #tpu.memory_space<semaphore_mem>> -> memref<1x!tpu.dma_semaphore, #tpu.memory_space<semaphore_mem>>
    %dma_start3A_11 = tpu.memref_squeeze %dma_start3A_10 : memref<1x!tpu.dma_semaphore, #tpu.memory_space<semaphore_mem>> -> memref<!tpu.dma_semaphore, #tpu.memory_space<semaphore_mem>>
    %dma_start3A_12 = arith.constant 0 : i32
    %dma_start3A_13 = tpu.memref_slice %arg7[%dma_start3A, %dma_start3A_12] : memref<8x80xi32, #tpu.memory_space<vmem>> -> memref<1x80xi32, #tpu.memory_space<vmem>>
    %dma_start3A_14 = tpu.memref_squeeze %dma_start3A_13 : memref<1x80xi32, #tpu.memory_space<vmem>> -> memref<80xi32, #tpu.memory_space<vmem>>
    %dma_start3A_15 = tpu.memref_slice %arg3[%add3A_4] : memref<320000xi32, #tpu.memory_space<hbm>> -> memref<80xi32, #tpu.memory_space<hbm>>
    tpu.enqueue_dma source(%dma_start3A_15 : memref<80xi32, #tpu.memory_space<hbm>>) target(%dma_start3A_14 : memref<80xi32, #tpu.memory_space<vmem>>) target_semaphore(%dma_start3A_11 : memref<!tpu.dma_semaphore, #tpu.memory_space<semaphore_mem>>)
    %add3A_16 = arith.constant 0 : i32
    %add3A_17 = arith.addi %mul3A_2, %add3A_16 : i32
    %dma_start3A_18 = arith.constant 0 : i32
    %dma_start3A_19 = arith.constant 0 : i32
    %dma_start3A_20 = arith.constant 0 : i32
    %dma_start3A_21 = tpu.memref_slice %arg8[%dma_start3A_18, %dma_start3A_20] : memref<8x80xi32, #tpu.memory_space<vmem>> -> memref<1x80xi32, #tpu.memory_space<vmem>>
    %dma_start3A_22 = tpu.memref_squeeze %dma_start3A_21 : memref<1x80xi32, #tpu.memory_space<vmem>> -> memref<80xi32, #tpu.memory_space<vmem>>
    %dma_start3A_23 = tpu.memref_slice %arg4[%add3A_17] : memref<320000xi32, #tpu.memory_space<hbm>> -> memref<80xi32, #tpu.memory_space<hbm>>
    %dma_start3A_24 = tpu.memref_slice %arg13[%dma_start3A_19] : memref<8x!tpu.dma_semaphore, #tpu.memory_space<semaphore_mem>> -> memref<1x!tpu.dma_semaphore, #tpu.memory_space<semaphore_mem>>
    %dma_start3A_25 = tpu.memref_squeeze %dma_start3A_24 : memref<1x!tpu.dma_semaphore, #tpu.memory_space<semaphore_mem>> -> memref<!tpu.dma_semaphore, #tpu.memory_space<semaphore_mem>>
    %dma_start3A_26 = arith.constant 0 : i32
    %dma_start3A_27 = tpu.memref_slice %arg8[%dma_start3A_18, %dma_start3A_26] : memref<8x80xi32, #tpu.memory_space<vmem>> -> memref<1x80xi32, #tpu.memory_space<vmem>>
    %dma_start3A_28 = tpu.memref_squeeze %dma_start3A_27 : memref<1x80xi32, #tpu.memory_space<vmem>> -> memref<80xi32, #tpu.memory_space<vmem>>
    %dma_start3A_29 = tpu.memref_slice %arg4[%add3A_17] : memref<320000xi32, #tpu.memory_space<hbm>> -> memref<80xi32, #tpu.memory_space<hbm>>
    tpu.enqueue_dma source(%dma_start3A_29 : memref<80xi32, #tpu.memory_space<hbm>>) target(%dma_start3A_28 : memref<80xi32, #tpu.memory_space<vmem>>) target_semaphore(%dma_start3A_25 : memref<!tpu.dma_semaphore, #tpu.memory_space<semaphore_mem>>)
    %add3A_30 = arith.constant 80 : i32
    %add3A_31 = arith.addi %mul3A_2, %add3A_30 : i32
    %dma_start3A_32 = arith.constant 1 : i32
    %dma_start3A_33 = arith.constant 1 : i32
    %dma_start3A_34 = arith.constant 0 : i32
    %dma_start3A_35 = tpu.memref_slice %arg7[%dma_start3A_32, %dma_start3A_34] : memref<8x80xi32, #tpu.memory_space<vmem>> -> memref<1x80xi32, #tpu.memory_space<vmem>>
    %dma_start3A_36 = tpu.memref_squeeze %dma_start3A_35 : memref<1x80xi32, #tpu.memory_space<vmem>> -> memref<80xi32, #tpu.memory_space<vmem>>
    %dma_start3A_37 = tpu.memref_slice %arg3[%add3A_31] : memref<320000xi32, #tpu.memory_space<hbm>> -> memref<80xi32, #tpu.memory_space<hbm>>
    %dma_start3A_38 = tpu.memref_slice %arg12[%dma_start3A_33] : memref<8x!tpu.dma_semaphore, #tpu.memory_space<semaphore_mem>> -> memref<1x!tpu.dma_semaphore, #tpu.memory_space<semaphore_mem>>
    %dma_start3A_39 = tpu.memref_squeeze %dma_start3A_38 : memref<1x!tpu.dma_semaphore, #tpu.memory_space<semaphore_mem>> -> memref<!tpu.dma_semaphore, #tpu.memory_space<semaphore_mem>>
    %dma_start3A_40 = arith.constant 0 : i32
    %dma_start3A_41 = tpu.memref_slice %arg7[%dma_start3A_32, %dma_start3A_40] : memref<8x80xi32, #tpu.memory_space<vmem>> -> memref<1x80xi32, #tpu.memory_space<vmem>>
    %dma_start3A_42 = tpu.memref_squeeze %dma_start3A_41 : memref<1x80xi32, #tpu.memory_space<vmem>> -> memref<80xi32, #tpu.memory_space<vmem>>
    %dma_start3A_43 = tpu.memref_slice %arg3[%add3A_31] : memref<320000xi32, #tpu.memory_space<hbm>> -> memref<80xi32, #tpu.memory_space<hbm>>
    tpu.enqueue_dma source(%dma_start3A_43 : memref<80xi32, #tpu.memory_space<hbm>>) target(%dma_start3A_42 : memref<80xi32, #tpu.memory_space<vmem>>) target_semaphore(%dma_start3A_39 : memref<!tpu.dma_semaphore, #tpu.memory_space<semaphore_mem>>)
    %add3A_44 = arith.constant 80 : i32
    %add3A_45 = arith.addi %mul3A_2, %add3A_44 : i32
    %dma_start3A_46 = arith.constant 1 : i32
    %dma_start3A_47 = arith.constant 1 : i32
    %dma_start3A_48 = arith.constant 0 : i32
    %dma_start3A_49 = tpu.memref_slice %arg8[%dma_start3A_46, %dma_start3A_48] : memref<8x80xi32, #tpu.memory_space<vmem>> -> memref<1x80xi32, #tpu.memory_space<vmem>>
    %dma_start3A_50 = tpu.memref_squeeze %dma_start3A_49 : memref<1x80xi32, #tpu.memory_space<vmem>> -> memref<80xi32, #tpu.memory_space<vmem>>
    %dma_start3A_51 = tpu.memref_slice %arg4[%add3A_45] : memref<320000xi32, #tpu.memory_space<hbm>> -> memref<80xi32, #tpu.memory_space<hbm>>
    %dma_start3A_52 = tpu.memref_slice %arg13[%dma_start3A_47] : memref<8x!tpu.dma_semaphore, #tpu.memory_space<semaphore_mem>> -> memref<1x!tpu.dma_semaphore, #tpu.memory_space<semaphore_mem>>
    %dma_start3A_53 = tpu.memref_squeeze %dma_start3A_52 : memref<1x!tpu.dma_semaphore, #tpu.memory_space<semaphore_mem>> -> memref<!tpu.dma_semaphore, #tpu.memory_space<semaphore_mem>>
    %dma_start3A_54 = arith.constant 0 : i32
    %dma_start3A_55 = tpu.memref_slice %arg8[%dma_start3A_46, %dma_start3A_54] : memref<8x80xi32, #tpu.memory_space<vmem>> -> memref<1x80xi32, #tpu.memory_space<vmem>>
    %dma_start3A_56 = tpu.memref_squeeze %dma_start3A_55 : memref<1x80xi32, #tpu.memory_space<vmem>> -> memref<80xi32, #tpu.memory_space<vmem>>
    %dma_start3A_57 = tpu.memref_slice %arg4[%add3A_45] : memref<320000xi32, #tpu.memory_space<hbm>> -> memref<80xi32, #tpu.memory_space<hbm>>
    tpu.enqueue_dma source(%dma_start3A_57 : memref<80xi32, #tpu.memory_space<hbm>>) target(%dma_start3A_56 : memref<80xi32, #tpu.memory_space<vmem>>) target_semaphore(%dma_start3A_53 : memref<!tpu.dma_semaphore, #tpu.memory_space<semaphore_mem>>)
    %add3A_58 = arith.constant 160 : i32
    %add3A_59 = arith.addi %mul3A_2, %add3A_58 : i32
    %dma_start3A_60 = arith.constant 2 : i32
    %dma_start3A_61 = arith.constant 2 : i32
    %dma_start3A_62 = arith.constant 0 : i32
    %dma_start3A_63 = tpu.memref_slice %arg7[%dma_start3A_60, %dma_start3A_62] : memref<8x80xi32, #tpu.memory_space<vmem>> -> memref<1x80xi32, #tpu.memory_space<vmem>>
    %dma_start3A_64 = tpu.memref_squeeze %dma_start3A_63 : memref<1x80xi32, #tpu.memory_space<vmem>> -> memref<80xi32, #tpu.memory_space<vmem>>
    %dma_start3A_65 = tpu.memref_slice %arg3[%add3A_59] : memref<320000xi32, #tpu.memory_space<hbm>> -> memref<80xi32, #tpu.memory_space<hbm>>
    %dma_start3A_66 = tpu.memref_slice %arg12[%dma_start3A_61] : memref<8x!tpu.dma_semaphore, #tpu.memory_space<semaphore_mem>> -> memref<1x!tpu.dma_semaphore, #tpu.memory_space<semaphore_mem>>
    %dma_start3A_67 = tpu.memref_squeeze %dma_start3A_66 : memref<1x!tpu.dma_semaphore, #tpu.memory_space<semaphore_mem>> -> memref<!tpu.dma_semaphore, #tpu.memory_space<semaphore_mem>>
    %dma_start3A_68 = arith.constant 0 : i32
    %dma_start3A_69 = tpu.memref_slice %arg7[%dma_start3A_60, %dma_start3A_68] : memref<8x80xi32, #tpu.memory_space<vmem>> -> memref<1x80xi32, #tpu.memory_space<vmem>>
    %dma_start3A_70 = tpu.memref_squeeze %dma_start3A_69 : memref<1x80xi32, #tpu.memory_space<vmem>> -> memref<80xi32, #tpu.memory_space<vmem>>
    %dma_start3A_71 = tpu.memref_slice %arg3[%add3A_59] : memref<320000xi32, #tpu.memory_space<hbm>> -> memref<80xi32, #tpu.memory_space<hbm>>
    tpu.enqueue_dma source(%dma_start3A_71 : memref<80xi32, #tpu.memory_space<hbm>>) target(%dma_start3A_70 : memref<80xi32, #tpu.memory_space<vmem>>) target_semaphore(%dma_start3A_67 : memref<!tpu.dma_semaphore, #tpu.memory_space<semaphore_mem>>)
    %add3A_72 = arith.constant 160 : i32
    %add3A_73 = arith.addi %mul3A_2, %add3A_72 : i32
    %dma_start3A_74 = arith.constant 2 : i32
    %dma_start3A_75 = arith.constant 2 : i32
    %dma_start3A_76 = arith.constant 0 : i32
    %dma_start3A_77 = tpu.memref_slice %arg8[%dma_start3A_74, %dma_start3A_76] : memref<8x80xi32, #tpu.memory_space<vmem>> -> memref<1x80xi32, #tpu.memory_space<vmem>>
    %dma_start3A_78 = tpu.memref_squeeze %dma_start3A_77 : memref<1x80xi32, #tpu.memory_space<vmem>> -> memref<80xi32, #tpu.memory_space<vmem>>
    %dma_start3A_79 = tpu.memref_slice %arg4[%add3A_73] : memref<320000xi32, #tpu.memory_space<hbm>> -> memref<80xi32, #tpu.memory_space<hbm>>
    %dma_start3A_80 = tpu.memref_slice %arg13[%dma_start3A_75] : memref<8x!tpu.dma_semaphore, #tpu.memory_space<semaphore_mem>> -> memref<1x!tpu.dma_semaphore, #tpu.memory_space<semaphore_mem>>
    %dma_start3A_81 = tpu.memref_squeeze %dma_start3A_80 : memref<1x!tpu.dma_semaphore, #tpu.memory_space<semaphore_mem>> -> memref<!tpu.dma_semaphore, #tpu.memory_space<semaphore_mem>>
    %dma_start3A_82 = arith.constant 0 : i32
    %dma_start3A_83 = tpu.memref_slice %arg8[%dma_start3A_74, %dma_start3A_82] : memref<8x80xi32, #tpu.memory_space<vmem>> -> memref<1x80xi32, #tpu.memory_space<vmem>>
    %dma_start3A_84 = tpu.memref_squeeze %dma_start3A_83 : memref<1x80xi32, #tpu.memory_space<vmem>> -> memref<80xi32, #tpu.memory_space<vmem>>
    %dma_start3A_85 = tpu.memref_slice %arg4[%add3A_73] : memref<320000xi32, #tpu.memory_space<hbm>> -> memref<80xi32, #tpu.memory_space<hbm>>
    tpu.enqueue_dma source(%dma_start3A_85 : memref<80xi32, #tpu.memory_space<hbm>>) target(%dma_start3A_84 : memref<80xi32, #tpu.memory_space<vmem>>) target_semaphore(%dma_start3A_81 : memref<!tpu.dma_semaphore, #tpu.memory_space<semaphore_mem>>)
    %add3A_86 = arith.constant 240 : i32
    %add3A_87 = arith.addi %mul3A_2, %add3A_86 : i32
    %dma_start3A_88 = arith.constant 3 : i32
    %dma_start3A_89 = arith.constant 3 : i32
    %dma_start3A_90 = arith.constant 0 : i32
    %dma_start3A_91 = tpu.memref_slice %arg7[%dma_start3A_88, %dma_start3A_90] : memref<8x80xi32, #tpu.memory_space<vmem>> -> memref<1x80xi32, #tpu.memory_space<vmem>>
    %dma_start3A_92 = tpu.memref_squeeze %dma_start3A_91 : memref<1x80xi32, #tpu.memory_space<vmem>> -> memref<80xi32, #tpu.memory_space<vmem>>
    %dma_start3A_93 = tpu.memref_slice %arg3[%add3A_87] : memref<320000xi32, #tpu.memory_space<hbm>> -> memref<80xi32, #tpu.memory_space<hbm>>
    %dma_start3A_94 = tpu.memref_slice %arg12[%dma_start3A_89] : memref<8x!tpu.dma_semaphore, #tpu.memory_space<semaphore_mem>> -> memref<1x!tpu.dma_semaphore, #tpu.memory_space<semaphore_mem>>
    %dma_start3A_95 = tpu.memref_squeeze %dma_start3A_94 : memref<1x!tpu.dma_semaphore, #tpu.memory_space<semaphore_mem>> -> memref<!tpu.dma_semaphore, #tpu.memory_space<semaphore_mem>>
    %dma_start3A_96 = arith.constant 0 : i32
    %dma_start3A_97 = tpu.memref_slice %arg7[%dma_start3A_88, %dma_start3A_96] : memref<8x80xi32, #tpu.memory_space<vmem>> -> memref<1x80xi32, #tpu.memory_space<vmem>>
    %dma_start3A_98 = tpu.memref_squeeze %dma_start3A_97 : memref<1x80xi32, #tpu.memory_space<vmem>> -> memref<80xi32, #tpu.memory_space<vmem>>
    %dma_start3A_99 = tpu.memref_slice %arg3[%add3A_87] : memref<320000xi32, #tpu.memory_space<hbm>> -> memref<80xi32, #tpu.memory_space<hbm>>
    tpu.enqueue_dma source(%dma_start3A_99 : memref<80xi32, #tpu.memory_space<hbm>>) target(%dma_start3A_98 : memref<80xi32, #tpu.memory_space<vmem>>) target_semaphore(%dma_start3A_95 : memref<!tpu.dma_semaphore, #tpu.memory_space<semaphore_mem>>)
    %add3A_100 = arith.constant 240 : i32
    %add3A_101 = arith.addi %mul3A_2, %add3A_100 : i32
    %dma_start3A_102 = arith.constant 3 : i32
    %dma_start3A_103 = arith.constant 3 : i32
    %dma_start3A_104 = arith.constant 0 : i32
    %dma_start3A_105 = tpu.memref_slice %arg8[%dma_start3A_102, %dma_start3A_104] : memref<8x80xi32, #tpu.memory_space<vmem>> -> memref<1x80xi32, #tpu.memory_space<vmem>>
    %dma_start3A_106 = tpu.memref_squeeze %dma_start3A_105 : memref<1x80xi32, #tpu.memory_space<vmem>> -> memref<80xi32, #tpu.memory_space<vmem>>
    %dma_start3A_107 = tpu.memref_slice %arg4[%add3A_101] : memref<320000xi32, #tpu.memory_space<hbm>> -> memref<80xi32, #tpu.memory_space<hbm>>
    %dma_start3A_108 = tpu.memref_slice %arg13[%dma_start3A_103] : memref<8x!tpu.dma_semaphore, #tpu.memory_space<semaphore_mem>> -> memref<1x!tpu.dma_semaphore, #tpu.memory_space<semaphore_mem>>
    %dma_start3A_109 = tpu.memref_squeeze %dma_start3A_108 : memref<1x!tpu.dma_semaphore, #tpu.memory_space<semaphore_mem>> -> memref<!tpu.dma_semaphore, #tpu.memory_space<semaphore_mem>>
    %dma_start3A_110 = arith.constant 0 : i32
    %dma_start3A_111 = tpu.memref_slice %arg8[%dma_start3A_102, %dma_start3A_110] : memref<8x80xi32, #tpu.memory_space<vmem>> -> memref<1x80xi32, #tpu.memory_space<vmem>>
    %dma_start3A_112 = tpu.memref_squeeze %dma_start3A_111 : memref<1x80xi32, #tpu.memory_space<vmem>> -> memref<80xi32, #tpu.memory_space<vmem>>
    %dma_start3A_113 = tpu.memref_slice %arg4[%add3A_101] : memref<320000xi32, #tpu.memory_space<hbm>> -> memref<80xi32, #tpu.memory_space<hbm>>
    tpu.enqueue_dma source(%dma_start3A_113 : memref<80xi32, #tpu.memory_space<hbm>>) target(%dma_start3A_112 : memref<80xi32, #tpu.memory_space<vmem>>) target_semaphore(%dma_start3A_109 : memref<!tpu.dma_semaphore, #tpu.memory_space<semaphore_mem>>)
    %mul3A_114 = arith.constant 632 : i32
    %mul3A_115 = arith.muli %arg1, %mul3A_114 : i32
    %min3A = arith.constant 9368 : i32
    %min3A_116 = arith.minsi %mul3A_115, %min3A : i32
    %multiple_of3A = tpu.assume_multiple %min3A_116, 8 : i32
    "tpu.region"() ({
      %run_scoped3A = tpu.sem_alloc : memref<!tpu.dma_semaphore, #tpu.memory_space<semaphore_mem>>
      %dma_start3A_281 = arith.constant 0 : i32
      %dma_start3A_282 = tpu.memref_slice %arg10[%multiple_of3A, %dma_start3A_281] : memref<10256x128xf32, #tpu.memory_space<vmem_shared>> -> memref<632x128xf32, #tpu.memory_space<vmem_shared>>
      %dma_start3A_283 = arith.constant 0 : i32
      %dma_start3A_284 = tpu.memref_slice %arg5[%multiple_of3A, %dma_start3A_283] : memref<10000x128xf32, #tpu.memory_space<hbm>> -> memref<632x128xf32, #tpu.memory_space<hbm>>
      tpu.enqueue_dma source(%dma_start3A_284 : memref<632x128xf32, #tpu.memory_space<hbm>>) target(%dma_start3A_282 : memref<632x128xf32, #tpu.memory_space<vmem_shared>>) target_semaphore(%run_scoped3A : memref<!tpu.dma_semaphore, #tpu.memory_space<semaphore_mem>>)
      %dma_wait3A_285 = arith.constant 0 : i32
      %dma_wait3A_286 = tpu.memref_slice %arg10[%multiple_of3A, %dma_wait3A_285] : memref<10256x128xf32, #tpu.memory_space<vmem_shared>> -> memref<632x128xf32, #tpu.memory_space<vmem_shared>>
      %dma_wait3A_287 = arith.constant 0 : i32
      %dma_wait3A_288 = tpu.memref_slice %arg5[%multiple_of3A, %dma_wait3A_287] : memref<10000x128xf32, #tpu.memory_space<hbm>> -> memref<632x128xf32, #tpu.memory_space<hbm>>
      tpu.wait_dma2 semaphore(%run_scoped3A : memref<!tpu.dma_semaphore, #tpu.memory_space<semaphore_mem>>) src(%dma_wait3A_288 : memref<632x128xf32, #tpu.memory_space<hbm>>) dst(%dma_wait3A_286 : memref<632x128xf32, #tpu.memory_space<vmem_shared>>)
      tpu.yield
    }) : () -> ()
    %barrier3A = arith.constant 0 : index
    tpu.barrier barrier_id(%barrier3A)
    %add3A_117 = arith.constant 0 : i32
    %add3A_118 = arith.addi %mul3A_2, %add3A_117 : i32
    %dma_wait3A = arith.constant 0 : i32
    %dma_wait3A_119 = arith.constant 0 : i32
    %dma_wait3A_120 = arith.constant 0 : i32
    %dma_wait3A_121 = tpu.memref_slice %arg7[%dma_wait3A, %dma_wait3A_120] : memref<8x80xi32, #tpu.memory_space<vmem>> -> memref<1x80xi32, #tpu.memory_space<vmem>>
    %dma_wait3A_122 = tpu.memref_squeeze %dma_wait3A_121 : memref<1x80xi32, #tpu.memory_space<vmem>> -> memref<80xi32, #tpu.memory_space<vmem>>
    %dma_wait3A_123 = tpu.memref_slice %arg3[%add3A_118] : memref<320000xi32, #tpu.memory_space<hbm>> -> memref<80xi32, #tpu.memory_space<hbm>>
    %dma_wait3A_124 = tpu.memref_slice %arg12[%dma_wait3A_119] : memref<8x!tpu.dma_semaphore, #tpu.memory_space<semaphore_mem>> -> memref<1x!tpu.dma_semaphore, #tpu.memory_space<semaphore_mem>>
    %dma_wait3A_125 = tpu.memref_squeeze %dma_wait3A_124 : memref<1x!tpu.dma_semaphore, #tpu.memory_space<semaphore_mem>> -> memref<!tpu.dma_semaphore, #tpu.memory_space<semaphore_mem>>
    %dma_wait3A_126 = arith.constant 0 : i32
    %dma_wait3A_127 = tpu.memref_slice %arg7[%dma_wait3A, %dma_wait3A_126] : memref<8x80xi32, #tpu.memory_space<vmem>> -> memref<1x80xi32, #tpu.memory_space<vmem>>
    %dma_wait3A_128 = tpu.memref_squeeze %dma_wait3A_127 : memref<1x80xi32, #tpu.memory_space<vmem>> -> memref<80xi32, #tpu.memory_space<vmem>>
    %dma_wait3A_129 = tpu.memref_slice %arg3[%add3A_118] : memref<320000xi32, #tpu.memory_space<hbm>> -> memref<80xi32, #tpu.memory_space<hbm>>
    tpu.wait_dma2 semaphore(%dma_wait3A_125 : memref<!tpu.dma_semaphore, #tpu.memory_space<semaphore_mem>>) src(%dma_wait3A_129 : memref<80xi32, #tpu.memory_space<hbm>>) dst(%dma_wait3A_128 : memref<80xi32, #tpu.memory_space<vmem>>)
    %dma_start3A_130 = arith.constant 0 : i32
    %dma_start3A_131 = arith.constant 0 : i32
    %dma_start3A_132 = arith.constant 0 : i32
    %dma_start3A_133 = arith.constant 0 : i32
    %dma_start3A_134 = arith.constant 0 : i32
    %dma_start3A_135 = tpu.memref_slice %arg9[%dma_start3A_131, %dma_start3A_133, %dma_start3A_134] : memref<4x80x128xf32, #tpu.memory_space<vmem>> -> memref<1x80x128xf32, #tpu.memory_space<vmem>>
    %dma_start3A_136 = tpu.memref_squeeze %dma_start3A_135 : memref<1x80x128xf32, #tpu.memory_space<vmem>> -> memref<80x128xf32, #tpu.memory_space<vmem>>
    %dma_start3A_137 = arith.constant 0 : i32
    %dma_start3A_138 = tpu.memref_slice %arg7[%dma_start3A_130, %dma_start3A_137] : memref<8x80xi32, #tpu.memory_space<vmem>> -> memref<1x80xi32, #tpu.memory_space<vmem>>
    %dma_start3A_139 = tpu.memref_squeeze %dma_start3A_138 : memref<1x80xi32, #tpu.memory_space<vmem>> -> memref<80xi32, #tpu.memory_space<vmem>>
    %dma_start3A_140 = arith.constant 0 : i32
    %dma_start3A_141 = arith.constant 0 : i32
    %dma_start3A_142 = tpu.memref_slice %arg2[%dma_start3A_140, %dma_start3A_141] : memref<10000x128xf32, #tpu.memory_space<hbm>> -> memref<10000x128xf32, #tpu.memory_space<hbm>>
    %dma_start3A_143 = tpu.memref_slice %arg11[%dma_start3A_132] : memref<4x!tpu.dma_semaphore, #tpu.memory_space<semaphore_mem>> -> memref<1x!tpu.dma_semaphore, #tpu.memory_space<semaphore_mem>>
    %dma_start3A_144 = tpu.memref_squeeze %dma_start3A_143 : memref<1x!tpu.dma_semaphore, #tpu.memory_space<semaphore_mem>> -> memref<!tpu.dma_semaphore, #tpu.memory_space<semaphore_mem>>
    tpu.enqueue_indirect_dma source(%dma_start3A_142 : memref<10000x128xf32, #tpu.memory_space<hbm>>) target(%dma_start3A_136 : memref<80x128xf32, #tpu.memory_space<vmem>>) offsets(%dma_start3A_139 : memref<80xi32, #tpu.memory_space<vmem>>) semaphore(%dma_start3A_144 : memref<!tpu.dma_semaphore, #tpu.memory_space<semaphore_mem>>)
    %add3A_145 = arith.constant 80 : i32
    %add3A_146 = arith.addi %mul3A_2, %add3A_145 : i32
    %dma_wait3A_147 = arith.constant 1 : i32
    %dma_wait3A_148 = arith.constant 1 : i32
    %dma_wait3A_149 = arith.constant 0 : i32
    %dma_wait3A_150 = tpu.memref_slice %arg7[%dma_wait3A_147, %dma_wait3A_149] : memref<8x80xi32, #tpu.memory_space<vmem>> -> memref<1x80xi32, #tpu.memory_space<vmem>>
    %dma_wait3A_151 = tpu.memref_squeeze %dma_wait3A_150 : memref<1x80xi32, #tpu.memory_space<vmem>> -> memref<80xi32, #tpu.memory_space<vmem>>
    %dma_wait3A_152 = tpu.memref_slice %arg3[%add3A_146] : memref<320000xi32, #tpu.memory_space<hbm>> -> memref<80xi32, #tpu.memory_space<hbm>>
    %dma_wait3A_153 = tpu.memref_slice %arg12[%dma_wait3A_148] : memref<8x!tpu.dma_semaphore, #tpu.memory_space<semaphore_mem>> -> memref<1x!tpu.dma_semaphore, #tpu.memory_space<semaphore_mem>>
    %dma_wait3A_154 = tpu.memref_squeeze %dma_wait3A_153 : memref<1x!tpu.dma_semaphore, #tpu.memory_space<semaphore_mem>> -> memref<!tpu.dma_semaphore, #tpu.memory_space<semaphore_mem>>
    %dma_wait3A_155 = arith.constant 0 : i32
    %dma_wait3A_156 = tpu.memref_slice %arg7[%dma_wait3A_147, %dma_wait3A_155] : memref<8x80xi32, #tpu.memory_space<vmem>> -> memref<1x80xi32, #tpu.memory_space<vmem>>
    %dma_wait3A_157 = tpu.memref_squeeze %dma_wait3A_156 : memref<1x80xi32, #tpu.memory_space<vmem>> -> memref<80xi32, #tpu.memory_space<vmem>>
    %dma_wait3A_158 = tpu.memref_slice %arg3[%add3A_146] : memref<320000xi32, #tpu.memory_space<hbm>> -> memref<80xi32, #tpu.memory_space<hbm>>
    tpu.wait_dma2 semaphore(%dma_wait3A_154 : memref<!tpu.dma_semaphore, #tpu.memory_space<semaphore_mem>>) src(%dma_wait3A_158 : memref<80xi32, #tpu.memory_space<hbm>>) dst(%dma_wait3A_157 : memref<80xi32, #tpu.memory_space<vmem>>)
    %dma_start3A_159 = arith.constant 1 : i32
    %dma_start3A_160 = arith.constant 1 : i32
    %dma_start3A_161 = arith.constant 1 : i32
    %dma_start3A_162 = arith.constant 0 : i32
    %dma_start3A_163 = arith.constant 0 : i32
    %dma_start3A_164 = tpu.memref_slice %arg9[%dma_start3A_160, %dma_start3A_162, %dma_start3A_163] : memref<4x80x128xf32, #tpu.memory_space<vmem>> -> memref<1x80x128xf32, #tpu.memory_space<vmem>>
    %dma_start3A_165 = tpu.memref_squeeze %dma_start3A_164 : memref<1x80x128xf32, #tpu.memory_space<vmem>> -> memref<80x128xf32, #tpu.memory_space<vmem>>
    %dma_start3A_166 = arith.constant 0 : i32
    %dma_start3A_167 = tpu.memref_slice %arg7[%dma_start3A_159, %dma_start3A_166] : memref<8x80xi32, #tpu.memory_space<vmem>> -> memref<1x80xi32, #tpu.memory_space<vmem>>
    %dma_start3A_168 = tpu.memref_squeeze %dma_start3A_167 : memref<1x80xi32, #tpu.memory_space<vmem>> -> memref<80xi32, #tpu.memory_space<vmem>>
    %dma_start3A_169 = arith.constant 0 : i32
    %dma_start3A_170 = arith.constant 0 : i32
    %dma_start3A_171 = tpu.memref_slice %arg2[%dma_start3A_169, %dma_start3A_170] : memref<10000x128xf32, #tpu.memory_space<hbm>> -> memref<10000x128xf32, #tpu.memory_space<hbm>>
    %dma_start3A_172 = tpu.memref_slice %arg11[%dma_start3A_161] : memref<4x!tpu.dma_semaphore, #tpu.memory_space<semaphore_mem>> -> memref<1x!tpu.dma_semaphore, #tpu.memory_space<semaphore_mem>>
    %dma_start3A_173 = tpu.memref_squeeze %dma_start3A_172 : memref<1x!tpu.dma_semaphore, #tpu.memory_space<semaphore_mem>> -> memref<!tpu.dma_semaphore, #tpu.memory_space<semaphore_mem>>
    tpu.enqueue_indirect_dma source(%dma_start3A_171 : memref<10000x128xf32, #tpu.memory_space<hbm>>) target(%dma_start3A_165 : memref<80x128xf32, #tpu.memory_space<vmem>>) offsets(%dma_start3A_168 : memref<80xi32, #tpu.memory_space<vmem>>) semaphore(%dma_start3A_173 : memref<!tpu.dma_semaphore, #tpu.memory_space<semaphore_mem>>)
    %add3A_174 = arith.constant 160 : i32
    %add3A_175 = arith.addi %mul3A_2, %add3A_174 : i32
    %dma_wait3A_176 = arith.constant 2 : i32
    %dma_wait3A_177 = arith.constant 2 : i32
    %dma_wait3A_178 = arith.constant 0 : i32
    %dma_wait3A_179 = tpu.memref_slice %arg7[%dma_wait3A_176, %dma_wait3A_178] : memref<8x80xi32, #tpu.memory_space<vmem>> -> memref<1x80xi32, #tpu.memory_space<vmem>>
    %dma_wait3A_180 = tpu.memref_squeeze %dma_wait3A_179 : memref<1x80xi32, #tpu.memory_space<vmem>> -> memref<80xi32, #tpu.memory_space<vmem>>
    %dma_wait3A_181 = tpu.memref_slice %arg3[%add3A_175] : memref<320000xi32, #tpu.memory_space<hbm>> -> memref<80xi32, #tpu.memory_space<hbm>>
    %dma_wait3A_182 = tpu.memref_slice %arg12[%dma_wait3A_177] : memref<8x!tpu.dma_semaphore, #tpu.memory_space<semaphore_mem>> -> memref<1x!tpu.dma_semaphore, #tpu.memory_space<semaphore_mem>>
    %dma_wait3A_183 = tpu.memref_squeeze %dma_wait3A_182 : memref<1x!tpu.dma_semaphore, #tpu.memory_space<semaphore_mem>> -> memref<!tpu.dma_semaphore, #tpu.memory_space<semaphore_mem>>
    %dma_wait3A_184 = arith.constant 0 : i32
    %dma_wait3A_185 = tpu.memref_slice %arg7[%dma_wait3A_176, %dma_wait3A_184] : memref<8x80xi32, #tpu.memory_space<vmem>> -> memref<1x80xi32, #tpu.memory_space<vmem>>
    %dma_wait3A_186 = tpu.memref_squeeze %dma_wait3A_185 : memref<1x80xi32, #tpu.memory_space<vmem>> -> memref<80xi32, #tpu.memory_space<vmem>>
    %dma_wait3A_187 = tpu.memref_slice %arg3[%add3A_175] : memref<320000xi32, #tpu.memory_space<hbm>> -> memref<80xi32, #tpu.memory_space<hbm>>
    tpu.wait_dma2 semaphore(%dma_wait3A_183 : memref<!tpu.dma_semaphore, #tpu.memory_space<semaphore_mem>>) src(%dma_wait3A_187 : memref<80xi32, #tpu.memory_space<hbm>>) dst(%dma_wait3A_186 : memref<80xi32, #tpu.memory_space<vmem>>)
    %dma_start3A_188 = arith.constant 2 : i32
    %dma_start3A_189 = arith.constant 2 : i32
    %dma_start3A_190 = arith.constant 2 : i32
    %dma_start3A_191 = arith.constant 0 : i32
    %dma_start3A_192 = arith.constant 0 : i32
    %dma_start3A_193 = tpu.memref_slice %arg9[%dma_start3A_189, %dma_start3A_191, %dma_start3A_192] : memref<4x80x128xf32, #tpu.memory_space<vmem>> -> memref<1x80x128xf32, #tpu.memory_space<vmem>>
    %dma_start3A_194 = tpu.memref_squeeze %dma_start3A_193 : memref<1x80x128xf32, #tpu.memory_space<vmem>> -> memref<80x128xf32, #tpu.memory_space<vmem>>
    %dma_start3A_195 = arith.constant 0 : i32
    %dma_start3A_196 = tpu.memref_slice %arg7[%dma_start3A_188, %dma_start3A_195] : memref<8x80xi32, #tpu.memory_space<vmem>> -> memref<1x80xi32, #tpu.memory_space<vmem>>
    %dma_start3A_197 = tpu.memref_squeeze %dma_start3A_196 : memref<1x80xi32, #tpu.memory_space<vmem>> -> memref<80xi32, #tpu.memory_space<vmem>>
    %dma_start3A_198 = arith.constant 0 : i32
    %dma_start3A_199 = arith.constant 0 : i32
    %dma_start3A_200 = tpu.memref_slice %arg2[%dma_start3A_198, %dma_start3A_199] : memref<10000x128xf32, #tpu.memory_space<hbm>> -> memref<10000x128xf32, #tpu.memory_space<hbm>>
    %dma_start3A_201 = tpu.memref_slice %arg11[%dma_start3A_190] : memref<4x!tpu.dma_semaphore, #tpu.memory_space<semaphore_mem>> -> memref<1x!tpu.dma_semaphore, #tpu.memory_space<semaphore_mem>>
    %dma_start3A_202 = tpu.memref_squeeze %dma_start3A_201 : memref<1x!tpu.dma_semaphore, #tpu.memory_space<semaphore_mem>> -> memref<!tpu.dma_semaphore, #tpu.memory_space<semaphore_mem>>
    tpu.enqueue_indirect_dma source(%dma_start3A_200 : memref<10000x128xf32, #tpu.memory_space<hbm>>) target(%dma_start3A_194 : memref<80x128xf32, #tpu.memory_space<vmem>>) offsets(%dma_start3A_197 : memref<80xi32, #tpu.memory_space<vmem>>) semaphore(%dma_start3A_202 : memref<!tpu.dma_semaphore, #tpu.memory_space<semaphore_mem>>)
    %scan3A = arith.constant 0 : i32
    %scan3A_203 = arith.constant 0 : i32
    %scan3A_204 = arith.constant 125 : i32
    %scan3A_205 = arith.addi %scan3A_203, %scan3A_204 : i32
    %scan3A_206 = arith.constant 1 : i32
    %scan3A_207 = scf.for %scan3A_281 = %scan3A_203 to %scan3A_205 step %scan3A_206 iter_args(%scan3A_282 = %scan3A) -> (i32)  : i32 {
      %rem3A_283 = arith.constant 8 : i32
      %rem3A_284 = arith.remsi %scan3A_281, %rem3A_283 : i32
      %rem3A_285 = arith.constant 4 : i32
      %rem3A_286 = arith.remsi %scan3A_281, %rem3A_285 : i32
      %dma_wait3A_287 = arith.constant 0 : i32
      %dma_wait3A_288 = arith.constant 0 : i32
      %dma_wait3A_289 = tpu.memref_slice %arg9[%rem3A_286, %dma_wait3A_287, %dma_wait3A_288] : memref<4x80x128xf32, #tpu.memory_space<vmem>> -> memref<1x80x128xf32, #tpu.memory_space<vmem>>
      %dma_wait3A_290 = tpu.memref_squeeze %dma_wait3A_289 : memref<1x80x128xf32, #tpu.memory_space<vmem>> -> memref<80x128xf32, #tpu.memory_space<vmem>>
      %dma_wait3A_291 = arith.constant 0 : i32
      %dma_wait3A_292 = tpu.memref_slice %arg7[%rem3A_284, %dma_wait3A_291] : memref<8x80xi32, #tpu.memory_space<vmem>> -> memref<1x80xi32, #tpu.memory_space<vmem>>
      %dma_wait3A_293 = tpu.memref_squeeze %dma_wait3A_292 : memref<1x80xi32, #tpu.memory_space<vmem>> -> memref<80xi32, #tpu.memory_space<vmem>>
      %dma_wait3A_294 = arith.constant 0 : i32
      %dma_wait3A_295 = arith.constant 0 : i32
      %dma_wait3A_296 = tpu.memref_slice %arg2[%dma_wait3A_294, %dma_wait3A_295] : memref<10000x128xf32, #tpu.memory_space<hbm>> -> memref<10000x128xf32, #tpu.memory_space<hbm>>
      %dma_wait3A_297 = tpu.memref_slice %arg11[%rem3A_286] : memref<4x!tpu.dma_semaphore, #tpu.memory_space<semaphore_mem>> -> memref<1x!tpu.dma_semaphore, #tpu.memory_space<semaphore_mem>>
      %dma_wait3A_298 = tpu.memref_squeeze %dma_wait3A_297 : memref<1x!tpu.dma_semaphore, #tpu.memory_space<semaphore_mem>> -> memref<!tpu.dma_semaphore, #tpu.memory_space<semaphore_mem>>
      tpu.wait_indirect_dma semaphore(%dma_wait3A_298 : memref<!tpu.dma_semaphore, #tpu.memory_space<semaphore_mem>>) src(%dma_wait3A_296 : memref<10000x128xf32, #tpu.memory_space<hbm>>) dst(%dma_wait3A_290 : memref<80x128xf32, #tpu.memory_space<vmem>>)
      %mul3A_299 = arith.constant 80 : i32
      %mul3A_300 = arith.muli %scan3A_281, %mul3A_299 : i32
      %add3A_301 = arith.addi %mul3A_2, %mul3A_300 : i32
      %dma_wait3A_302 = arith.constant 0 : i32
      %dma_wait3A_303 = tpu.memref_slice %arg8[%rem3A_284, %dma_wait3A_302] : memref<8x80xi32, #tpu.memory_space<vmem>> -> memref<1x80xi32, #tpu.memory_space<vmem>>
      %dma_wait3A_304 = tpu.memref_squeeze %dma_wait3A_303 : memref<1x80xi32, #tpu.memory_space<vmem>> -> memref<80xi32, #tpu.memory_space<vmem>>
      %dma_wait3A_305 = tpu.memref_slice %arg4[%add3A_301] : memref<320000xi32, #tpu.memory_space<hbm>> -> memref<80xi32, #tpu.memory_space<hbm>>
      %dma_wait3A_306 = tpu.memref_slice %arg13[%rem3A_284] : memref<8x!tpu.dma_semaphore, #tpu.memory_space<semaphore_mem>> -> memref<1x!tpu.dma_semaphore, #tpu.memory_space<semaphore_mem>>
      %dma_wait3A_307 = tpu.memref_squeeze %dma_wait3A_306 : memref<1x!tpu.dma_semaphore, #tpu.memory_space<semaphore_mem>> -> memref<!tpu.dma_semaphore, #tpu.memory_space<semaphore_mem>>
      %dma_wait3A_308 = arith.constant 0 : i32
      %dma_wait3A_309 = tpu.memref_slice %arg8[%rem3A_284, %dma_wait3A_308] : memref<8x80xi32, #tpu.memory_space<vmem>> -> memref<1x80xi32, #tpu.memory_space<vmem>>
      %dma_wait3A_310 = tpu.memref_squeeze %dma_wait3A_309 : memref<1x80xi32, #tpu.memory_space<vmem>> -> memref<80xi32, #tpu.memory_space<vmem>>
      %dma_wait3A_311 = tpu.memref_slice %arg4[%add3A_301] : memref<320000xi32, #tpu.memory_space<hbm>> -> memref<80xi32, #tpu.memory_space<hbm>>
      tpu.wait_dma2 semaphore(%dma_wait3A_307 : memref<!tpu.dma_semaphore, #tpu.memory_space<semaphore_mem>>) src(%dma_wait3A_311 : memref<80xi32, #tpu.memory_space<hbm>>) dst(%dma_wait3A_310 : memref<80xi32, #tpu.memory_space<vmem>>)
      %dma_start3A_312 = arith.constant 0 : i32
      %dma_start3A_313 = arith.constant 0 : i32
      %dma_start3A_314 = tpu.memref_slice %arg9[%rem3A_286, %dma_start3A_312, %dma_start3A_313] : memref<4x80x128xf32, #tpu.memory_space<vmem>> -> memref<1x80x128xf32, #tpu.memory_space<vmem>>
      %dma_start3A_315 = tpu.memref_squeeze %dma_start3A_314 : memref<1x80x128xf32, #tpu.memory_space<vmem>> -> memref<80x128xf32, #tpu.memory_space<vmem>>
      %dma_start3A_316 = arith.constant 0 : i32
      %dma_start3A_317 = tpu.memref_slice %arg8[%rem3A_284, %dma_start3A_316] : memref<8x80xi32, #tpu.memory_space<vmem>> -> memref<1x80xi32, #tpu.memory_space<vmem>>
      %dma_start3A_318 = tpu.memref_squeeze %dma_start3A_317 : memref<1x80xi32, #tpu.memory_space<vmem>> -> memref<80xi32, #tpu.memory_space<vmem>>
      %dma_start3A_319 = arith.constant 0 : i32
      %dma_start3A_320 = arith.constant 0 : i32
      %dma_start3A_321 = tpu.memref_slice %arg10[%dma_start3A_319, %dma_start3A_320] : memref<10256x128xf32, #tpu.memory_space<vmem_shared>> -> memref<10256x128xf32, #tpu.memory_space<vmem_shared>>
      %dma_start3A_322 = tpu.memref_slice %arg14[%rem3A_286] : memref<4x!tpu.dma_semaphore, #tpu.memory_space<semaphore_mem>> -> memref<1x!tpu.dma_semaphore, #tpu.memory_space<semaphore_mem>>
      %dma_start3A_323 = tpu.memref_squeeze %dma_start3A_322 : memref<1x!tpu.dma_semaphore, #tpu.memory_space<semaphore_mem>> -> memref<!tpu.dma_semaphore, #tpu.memory_space<semaphore_mem>>
      tpu.enqueue_indirect_dma source(%dma_start3A_315 : memref<80x128xf32, #tpu.memory_space<vmem>>) target(%dma_start3A_321 : memref<10256x128xf32, #tpu.memory_space<vmem_shared>>) offsets(%dma_start3A_318 : memref<80xi32, #tpu.memory_space<vmem>>) semaphore(%dma_start3A_323 : memref<!tpu.dma_semaphore, #tpu.memory_space<semaphore_mem>>) {add = true}
      %add3A_324 = arith.constant 3 : i32
      %add3A_325 = arith.addi %scan3A_281, %add3A_324 : i32
      %lt3A = arith.constant 125 : i32
      %lt3A_326 = arith.cmpi slt, %add3A_325, %lt3A : i32
      %convert_element_type3A = arith.extui %lt3A_326 : i1 to i32
      %cond3A = arith.constant 0 : i32
      %cond3A_327 = arith.cmpi ne, %convert_element_type3A, %cond3A : i32
      scf.if %cond3A_327 {
        %ge3A = arith.constant 1 : i32
        %ge3A_336 = arith.cmpi sge, %scan3A_281, %ge3A : i32
        %convert_element_type3A_337 = arith.extui %ge3A_336 : i1 to i32
        %cond3A_338 = arith.constant 0 : i32
        %cond3A_339 = arith.cmpi ne, %convert_element_type3A_337, %cond3A_338 : i32
        scf.if %cond3A_339 {
          %sub3A = arith.constant 1 : i32
          %sub3A_379 = arith.subi %scan3A_281, %sub3A : i32
          %rem3A_380 = arith.constant 8 : i32
          %rem3A_381 = arith.remsi %sub3A_379, %rem3A_380 : i32
          %add3A_382 = arith.constant 3 : i32
          %add3A_383 = arith.addi %scan3A_281, %add3A_382 : i32
          %rem3A_384 = arith.constant 4 : i32
          %rem3A_385 = arith.remsi %add3A_383, %rem3A_384 : i32
          %dma_wait3A_386 = arith.constant 0 : i32
          %dma_wait3A_387 = arith.constant 0 : i32
          %dma_wait3A_388 = tpu.memref_slice %arg9[%rem3A_385, %dma_wait3A_386, %dma_wait3A_387] : memref<4x80x128xf32, #tpu.memory_space<vmem>> -> memref<1x80x128xf32, #tpu.memory_space<vmem>>
          %dma_wait3A_389 = tpu.memref_squeeze %dma_wait3A_388 : memref<1x80x128xf32, #tpu.memory_space<vmem>> -> memref<80x128xf32, #tpu.memory_space<vmem>>
          %dma_wait3A_390 = arith.constant 0 : i32
          %dma_wait3A_391 = tpu.memref_slice %arg8[%rem3A_381, %dma_wait3A_390] : memref<8x80xi32, #tpu.memory_space<vmem>> -> memref<1x80xi32, #tpu.memory_space<vmem>>
          %dma_wait3A_392 = tpu.memref_squeeze %dma_wait3A_391 : memref<1x80xi32, #tpu.memory_space<vmem>> -> memref<80xi32, #tpu.memory_space<vmem>>
          %dma_wait3A_393 = arith.constant 0 : i32
          %dma_wait3A_394 = arith.constant 0 : i32
          %dma_wait3A_395 = tpu.memref_slice %arg10[%dma_wait3A_393, %dma_wait3A_394] : memref<10256x128xf32, #tpu.memory_space<vmem_shared>> -> memref<10256x128xf32, #tpu.memory_space<vmem_shared>>
          %dma_wait3A_396 = tpu.memref_slice %arg14[%rem3A_385] : memref<4x!tpu.dma_semaphore, #tpu.memory_space<semaphore_mem>> -> memref<1x!tpu.dma_semaphore, #tpu.memory_space<semaphore_mem>>
          %dma_wait3A_397 = tpu.memref_squeeze %dma_wait3A_396 : memref<1x!tpu.dma_semaphore, #tpu.memory_space<semaphore_mem>> -> memref<!tpu.dma_semaphore, #tpu.memory_space<semaphore_mem>>
          tpu.wait_indirect_dma semaphore(%dma_wait3A_397 : memref<!tpu.dma_semaphore, #tpu.memory_space<semaphore_mem>>) src(%dma_wait3A_389 : memref<80x128xf32, #tpu.memory_space<vmem>>) dst(%dma_wait3A_395 : memref<10256x128xf32, #tpu.memory_space<vmem_shared>>)
        } else {
        }
        %add3A_340 = arith.constant 3 : i32
        %add3A_341 = arith.addi %scan3A_281, %add3A_340 : i32
        %add3A_342 = arith.constant 3 : i32
        %add3A_343 = arith.addi %scan3A_281, %add3A_342 : i32
        %rem3A_344 = arith.constant 8 : i32
        %rem3A_345 = arith.remsi %add3A_343, %rem3A_344 : i32
        %mul3A_346 = arith.constant 80 : i32
        %mul3A_347 = arith.muli %add3A_341, %mul3A_346 : i32
        %add3A_348 = arith.addi %mul3A_2, %mul3A_347 : i32
        %dma_wait3A_349 = arith.constant 0 : i32
        %dma_wait3A_350 = tpu.memref_slice %arg7[%rem3A_345, %dma_wait3A_349] : memref<8x80xi32, #tpu.memory_space<vmem>> -> memref<1x80xi32, #tpu.memory_space<vmem>>
        %dma_wait3A_351 = tpu.memref_squeeze %dma_wait3A_350 : memref<1x80xi32, #tpu.memory_space<vmem>> -> memref<80xi32, #tpu.memory_space<vmem>>
        %dma_wait3A_352 = tpu.memref_slice %arg3[%add3A_348] : memref<320000xi32, #tpu.memory_space<hbm>> -> memref<80xi32, #tpu.memory_space<hbm>>
        %dma_wait3A_353 = tpu.memref_slice %arg12[%rem3A_345] : memref<8x!tpu.dma_semaphore, #tpu.memory_space<semaphore_mem>> -> memref<1x!tpu.dma_semaphore, #tpu.memory_space<semaphore_mem>>
        %dma_wait3A_354 = tpu.memref_squeeze %dma_wait3A_353 : memref<1x!tpu.dma_semaphore, #tpu.memory_space<semaphore_mem>> -> memref<!tpu.dma_semaphore, #tpu.memory_space<semaphore_mem>>
        %dma_wait3A_355 = arith.constant 0 : i32
        %dma_wait3A_356 = tpu.memref_slice %arg7[%rem3A_345, %dma_wait3A_355] : memref<8x80xi32, #tpu.memory_space<vmem>> -> memref<1x80xi32, #tpu.memory_space<vmem>>
        %dma_wait3A_357 = tpu.memref_squeeze %dma_wait3A_356 : memref<1x80xi32, #tpu.memory_space<vmem>> -> memref<80xi32, #tpu.memory_space<vmem>>
        %dma_wait3A_358 = tpu.memref_slice %arg3[%add3A_348] : memref<320000xi32, #tpu.memory_space<hbm>> -> memref<80xi32, #tpu.memory_space<hbm>>
        tpu.wait_dma2 semaphore(%dma_wait3A_354 : memref<!tpu.dma_semaphore, #tpu.memory_space<semaphore_mem>>) src(%dma_wait3A_358 : memref<80xi32, #tpu.memory_space<hbm>>) dst(%dma_wait3A_357 : memref<80xi32, #tpu.memory_space<vmem>>)
        %add3A_359 = arith.constant 3 : i32
        %add3A_360 = arith.addi %scan3A_281, %add3A_359 : i32
        %rem3A_361 = arith.constant 8 : i32
        %rem3A_362 = arith.remsi %add3A_360, %rem3A_361 : i32
        %add3A_363 = arith.constant 3 : i32
        %add3A_364 = arith.addi %scan3A_281, %add3A_363 : i32
        %rem3A_365 = arith.constant 4 : i32
        %rem3A_366 = arith.remsi %add3A_364, %rem3A_365 : i32
        %dma_start3A_367 = arith.constant 0 : i32
        %dma_start3A_368 = arith.constant 0 : i32
        %dma_start3A_369 = tpu.memref_slice %arg9[%rem3A_366, %dma_start3A_367, %dma_start3A_368] : memref<4x80x128xf32, #tpu.memory_space<vmem>> -> memref<1x80x128xf32, #tpu.memory_space<vmem>>
        %dma_start3A_370 = tpu.memref_squeeze %dma_start3A_369 : memref<1x80x128xf32, #tpu.memory_space<vmem>> -> memref<80x128xf32, #tpu.memory_space<vmem>>
        %dma_start3A_371 = arith.constant 0 : i32
        %dma_start3A_372 = tpu.memref_slice %arg7[%rem3A_362, %dma_start3A_371] : memref<8x80xi32, #tpu.memory_space<vmem>> -> memref<1x80xi32, #tpu.memory_space<vmem>>
        %dma_start3A_373 = tpu.memref_squeeze %dma_start3A_372 : memref<1x80xi32, #tpu.memory_space<vmem>> -> memref<80xi32, #tpu.memory_space<vmem>>
        %dma_start3A_374 = arith.constant 0 : i32
        %dma_start3A_375 = arith.constant 0 : i32
        %dma_start3A_376 = tpu.memref_slice %arg2[%dma_start3A_374, %dma_start3A_375] : memref<10000x128xf32, #tpu.memory_space<hbm>> -> memref<10000x128xf32, #tpu.memory_space<hbm>>
        %dma_start3A_377 = tpu.memref_slice %arg11[%rem3A_366] : memref<4x!tpu.dma_semaphore, #tpu.memory_space<semaphore_mem>> -> memref<1x!tpu.dma_semaphore, #tpu.memory_space<semaphore_mem>>
        %dma_start3A_378 = tpu.memref_squeeze %dma_start3A_377 : memref<1x!tpu.dma_semaphore, #tpu.memory_space<semaphore_mem>> -> memref<!tpu.dma_semaphore, #tpu.memory_space<semaphore_mem>>
        tpu.enqueue_indirect_dma source(%dma_start3A_376 : memref<10000x128xf32, #tpu.memory_space<hbm>>) target(%dma_start3A_370 : memref<80x128xf32, #tpu.memory_space<vmem>>) offsets(%dma_start3A_373 : memref<80xi32, #tpu.memory_space<vmem>>) semaphore(%dma_start3A_378 : memref<!tpu.dma_semaphore, #tpu.memory_space<semaphore_mem>>)
      } else {
      }
      %add3A_328 = arith.constant 4 : i32
      %add3A_329 = arith.addi %scan3A_281, %add3A_328 : i32
      %lt3A_330 = arith.constant 125 : i32
      %lt3A_331 = arith.cmpi slt, %add3A_329, %lt3A_330 : i32
      %convert_element_type3A_332 = arith.extui %lt3A_331 : i1 to i32
      %cond3A_333 = arith.constant 0 : i32
      %cond3A_334 = arith.cmpi ne, %convert_element_type3A_332, %cond3A_333 : i32
      scf.if %cond3A_334 {
        %add3A_336 = arith.constant 4 : i32
        %add3A_337 = arith.addi %scan3A_281, %add3A_336 : i32
        %add3A_338 = arith.constant 4 : i32
        %add3A_339 = arith.addi %scan3A_281, %add3A_338 : i32
        %rem3A_340 = arith.constant 8 : i32
        %rem3A_341 = arith.remsi %add3A_339, %rem3A_340 : i32
        %mul3A_342 = arith.constant 80 : i32
        %mul3A_343 = arith.muli %add3A_337, %mul3A_342 : i32
        %add3A_344 = arith.addi %mul3A_2, %mul3A_343 : i32
        %dma_start3A_345 = arith.constant 0 : i32
        %dma_start3A_346 = tpu.memref_slice %arg7[%rem3A_341, %dma_start3A_345] : memref<8x80xi32, #tpu.memory_space<vmem>> -> memref<1x80xi32, #tpu.memory_space<vmem>>
        %dma_start3A_347 = tpu.memref_squeeze %dma_start3A_346 : memref<1x80xi32, #tpu.memory_space<vmem>> -> memref<80xi32, #tpu.memory_space<vmem>>
        %dma_start3A_348 = tpu.memref_slice %arg3[%add3A_344] : memref<320000xi32, #tpu.memory_space<hbm>> -> memref<80xi32, #tpu.memory_space<hbm>>
        %dma_start3A_349 = tpu.memref_slice %arg12[%rem3A_341] : memref<8x!tpu.dma_semaphore, #tpu.memory_space<semaphore_mem>> -> memref<1x!tpu.dma_semaphore, #tpu.memory_space<semaphore_mem>>
        %dma_start3A_350 = tpu.memref_squeeze %dma_start3A_349 : memref<1x!tpu.dma_semaphore, #tpu.memory_space<semaphore_mem>> -> memref<!tpu.dma_semaphore, #tpu.memory_space<semaphore_mem>>
        %dma_start3A_351 = arith.constant 0 : i32
        %dma_start3A_352 = tpu.memref_slice %arg7[%rem3A_341, %dma_start3A_351] : memref<8x80xi32, #tpu.memory_space<vmem>> -> memref<1x80xi32, #tpu.memory_space<vmem>>
        %dma_start3A_353 = tpu.memref_squeeze %dma_start3A_352 : memref<1x80xi32, #tpu.memory_space<vmem>> -> memref<80xi32, #tpu.memory_space<vmem>>
        %dma_start3A_354 = tpu.memref_slice %arg3[%add3A_344] : memref<320000xi32, #tpu.memory_space<hbm>> -> memref<80xi32, #tpu.memory_space<hbm>>
        tpu.enqueue_dma source(%dma_start3A_354 : memref<80xi32, #tpu.memory_space<hbm>>) target(%dma_start3A_353 : memref<80xi32, #tpu.memory_space<vmem>>) target_semaphore(%dma_start3A_350 : memref<!tpu.dma_semaphore, #tpu.memory_space<semaphore_mem>>)
        %add3A_355 = arith.constant 4 : i32
        %add3A_356 = arith.addi %scan3A_281, %add3A_355 : i32
        %add3A_357 = arith.constant 4 : i32
        %add3A_358 = arith.addi %scan3A_281, %add3A_357 : i32
        %rem3A_359 = arith.constant 8 : i32
        %rem3A_360 = arith.remsi %add3A_358, %rem3A_359 : i32
        %mul3A_361 = arith.constant 80 : i32
        %mul3A_362 = arith.muli %add3A_356, %mul3A_361 : i32
        %add3A_363 = arith.addi %mul3A_2, %mul3A_362 : i32
        %dma_start3A_364 = arith.constant 0 : i32
        %dma_start3A_365 = tpu.memref_slice %arg8[%rem3A_360, %dma_start3A_364] : memref<8x80xi32, #tpu.memory_space<vmem>> -> memref<1x80xi32, #tpu.memory_space<vmem>>
        %dma_start3A_366 = tpu.memref_squeeze %dma_start3A_365 : memref<1x80xi32, #tpu.memory_space<vmem>> -> memref<80xi32, #tpu.memory_space<vmem>>
        %dma_start3A_367 = tpu.memref_slice %arg4[%add3A_363] : memref<320000xi32, #tpu.memory_space<hbm>> -> memref<80xi32, #tpu.memory_space<hbm>>
        %dma_start3A_368 = tpu.memref_slice %arg13[%rem3A_360] : memref<8x!tpu.dma_semaphore, #tpu.memory_space<semaphore_mem>> -> memref<1x!tpu.dma_semaphore, #tpu.memory_space<semaphore_mem>>
        %dma_start3A_369 = tpu.memref_squeeze %dma_start3A_368 : memref<1x!tpu.dma_semaphore, #tpu.memory_space<semaphore_mem>> -> memref<!tpu.dma_semaphore, #tpu.memory_space<semaphore_mem>>
        %dma_start3A_370 = arith.constant 0 : i32
        %dma_start3A_371 = tpu.memref_slice %arg8[%rem3A_360, %dma_start3A_370] : memref<8x80xi32, #tpu.memory_space<vmem>> -> memref<1x80xi32, #tpu.memory_space<vmem>>
        %dma_start3A_372 = tpu.memref_squeeze %dma_start3A_371 : memref<1x80xi32, #tpu.memory_space<vmem>> -> memref<80xi32, #tpu.memory_space<vmem>>
        %dma_start3A_373 = tpu.memref_slice %arg4[%add3A_363] : memref<320000xi32, #tpu.memory_space<hbm>> -> memref<80xi32, #tpu.memory_space<hbm>>
        tpu.enqueue_dma source(%dma_start3A_373 : memref<80xi32, #tpu.memory_space<hbm>>) target(%dma_start3A_372 : memref<80xi32, #tpu.memory_space<vmem>>) target_semaphore(%dma_start3A_369 : memref<!tpu.dma_semaphore, #tpu.memory_space<semaphore_mem>>)
      } else {
      }
      %scan3A_335 = arith.constant 0 : i32
      scf.yield %scan3A_335 : i32
    }
    %scan3A_208 = arith.constant 125 : i32
    %rem3A = arith.constant 121 : i32
    %rem3A_209 = arith.constant 8 : i32
    %rem3A_210 = arith.remsi %rem3A, %rem3A_209 : i32
    %rem3A_211 = arith.constant 121 : i32
    %rem3A_212 = arith.constant 4 : i32
    %rem3A_213 = arith.remsi %rem3A_211, %rem3A_212 : i32
    %dma_wait3A_214 = arith.constant 0 : i32
    %dma_wait3A_215 = arith.constant 0 : i32
    %dma_wait3A_216 = tpu.memref_slice %arg9[%rem3A_213, %dma_wait3A_214, %dma_wait3A_215] : memref<4x80x128xf32, #tpu.memory_space<vmem>> -> memref<1x80x128xf32, #tpu.memory_space<vmem>>
    %dma_wait3A_217 = tpu.memref_squeeze %dma_wait3A_216 : memref<1x80x128xf32, #tpu.memory_space<vmem>> -> memref<80x128xf32, #tpu.memory_space<vmem>>
    %dma_wait3A_218 = arith.constant 0 : i32
    %dma_wait3A_219 = tpu.memref_slice %arg8[%rem3A_210, %dma_wait3A_218] : memref<8x80xi32, #tpu.memory_space<vmem>> -> memref<1x80xi32, #tpu.memory_space<vmem>>
    %dma_wait3A_220 = tpu.memref_squeeze %dma_wait3A_219 : memref<1x80xi32, #tpu.memory_space<vmem>> -> memref<80xi32, #tpu.memory_space<vmem>>
    %dma_wait3A_221 = arith.constant 0 : i32
    %dma_wait3A_222 = arith.constant 0 : i32
    %dma_wait3A_223 = tpu.memref_slice %arg10[%dma_wait3A_221, %dma_wait3A_222] : memref<10256x128xf32, #tpu.memory_space<vmem_shared>> -> memref<10256x128xf32, #tpu.memory_space<vmem_shared>>
    %dma_wait3A_224 = tpu.memref_slice %arg14[%rem3A_213] : memref<4x!tpu.dma_semaphore, #tpu.memory_space<semaphore_mem>> -> memref<1x!tpu.dma_semaphore, #tpu.memory_space<semaphore_mem>>
    %dma_wait3A_225 = tpu.memref_squeeze %dma_wait3A_224 : memref<1x!tpu.dma_semaphore, #tpu.memory_space<semaphore_mem>> -> memref<!tpu.dma_semaphore, #tpu.memory_space<semaphore_mem>>
    tpu.wait_indirect_dma semaphore(%dma_wait3A_225 : memref<!tpu.dma_semaphore, #tpu.memory_space<semaphore_mem>>) src(%dma_wait3A_217 : memref<80x128xf32, #tpu.memory_space<vmem>>) dst(%dma_wait3A_223 : memref<10256x128xf32, #tpu.memory_space<vmem_shared>>)
    %rem3A_226 = arith.constant 122 : i32
    %rem3A_227 = arith.constant 8 : i32
    %rem3A_228 = arith.remsi %rem3A_226, %rem3A_227 : i32
    %rem3A_229 = arith.constant 122 : i32
    %rem3A_230 = arith.constant 4 : i32
    %rem3A_231 = arith.remsi %rem3A_229, %rem3A_230 : i32
    %dma_wait3A_232 = arith.constant 0 : i32
    %dma_wait3A_233 = arith.constant 0 : i32
    %dma_wait3A_234 = tpu.memref_slice %arg9[%rem3A_231, %dma_wait3A_232, %dma_wait3A_233] : memref<4x80x128xf32, #tpu.memory_space<vmem>> -> memref<1x80x128xf32, #tpu.memory_space<vmem>>
    %dma_wait3A_235 = tpu.memref_squeeze %dma_wait3A_234 : memref<1x80x128xf32, #tpu.memory_space<vmem>> -> memref<80x128xf32, #tpu.memory_space<vmem>>
    %dma_wait3A_236 = arith.constant 0 : i32
    %dma_wait3A_237 = tpu.memref_slice %arg8[%rem3A_228, %dma_wait3A_236] : memref<8x80xi32, #tpu.memory_space<vmem>> -> memref<1x80xi32, #tpu.memory_space<vmem>>
    %dma_wait3A_238 = tpu.memref_squeeze %dma_wait3A_237 : memref<1x80xi32, #tpu.memory_space<vmem>> -> memref<80xi32, #tpu.memory_space<vmem>>
    %dma_wait3A_239 = arith.constant 0 : i32
    %dma_wait3A_240 = arith.constant 0 : i32
    %dma_wait3A_241 = tpu.memref_slice %arg10[%dma_wait3A_239, %dma_wait3A_240] : memref<10256x128xf32, #tpu.memory_space<vmem_shared>> -> memref<10256x128xf32, #tpu.memory_space<vmem_shared>>
    %dma_wait3A_242 = tpu.memref_slice %arg14[%rem3A_231] : memref<4x!tpu.dma_semaphore, #tpu.memory_space<semaphore_mem>> -> memref<1x!tpu.dma_semaphore, #tpu.memory_space<semaphore_mem>>
    %dma_wait3A_243 = tpu.memref_squeeze %dma_wait3A_242 : memref<1x!tpu.dma_semaphore, #tpu.memory_space<semaphore_mem>> -> memref<!tpu.dma_semaphore, #tpu.memory_space<semaphore_mem>>
    tpu.wait_indirect_dma semaphore(%dma_wait3A_243 : memref<!tpu.dma_semaphore, #tpu.memory_space<semaphore_mem>>) src(%dma_wait3A_235 : memref<80x128xf32, #tpu.memory_space<vmem>>) dst(%dma_wait3A_241 : memref<10256x128xf32, #tpu.memory_space<vmem_shared>>)
    %rem3A_244 = arith.constant 123 : i32
    %rem3A_245 = arith.constant 8 : i32
    %rem3A_246 = arith.remsi %rem3A_244, %rem3A_245 : i32
    %rem3A_247 = arith.constant 123 : i32
    %rem3A_248 = arith.constant 4 : i32
    %rem3A_249 = arith.remsi %rem3A_247, %rem3A_248 : i32
    %dma_wait3A_250 = arith.constant 0 : i32
    %dma_wait3A_251 = arith.constant 0 : i32
    %dma_wait3A_252 = tpu.memref_slice %arg9[%rem3A_249, %dma_wait3A_250, %dma_wait3A_251] : memref<4x80x128xf32, #tpu.memory_space<vmem>> -> memref<1x80x128xf32, #tpu.memory_space<vmem>>
    %dma_wait3A_253 = tpu.memref_squeeze %dma_wait3A_252 : memref<1x80x128xf32, #tpu.memory_space<vmem>> -> memref<80x128xf32, #tpu.memory_space<vmem>>
    %dma_wait3A_254 = arith.constant 0 : i32
    %dma_wait3A_255 = tpu.memref_slice %arg8[%rem3A_246, %dma_wait3A_254] : memref<8x80xi32, #tpu.memory_space<vmem>> -> memref<1x80xi32, #tpu.memory_space<vmem>>
    %dma_wait3A_256 = tpu.memref_squeeze %dma_wait3A_255 : memref<1x80xi32, #tpu.memory_space<vmem>> -> memref<80xi32, #tpu.memory_space<vmem>>
    %dma_wait3A_257 = arith.constant 0 : i32
    %dma_wait3A_258 = arith.constant 0 : i32
    %dma_wait3A_259 = tpu.memref_slice %arg10[%dma_wait3A_257, %dma_wait3A_258] : memref<10256x128xf32, #tpu.memory_space<vmem_shared>> -> memref<10256x128xf32, #tpu.memory_space<vmem_shared>>
    %dma_wait3A_260 = tpu.memref_slice %arg14[%rem3A_249] : memref<4x!tpu.dma_semaphore, #tpu.memory_space<semaphore_mem>> -> memref<1x!tpu.dma_semaphore, #tpu.memory_space<semaphore_mem>>
    %dma_wait3A_261 = tpu.memref_squeeze %dma_wait3A_260 : memref<1x!tpu.dma_semaphore, #tpu.memory_space<semaphore_mem>> -> memref<!tpu.dma_semaphore, #tpu.memory_space<semaphore_mem>>
    tpu.wait_indirect_dma semaphore(%dma_wait3A_261 : memref<!tpu.dma_semaphore, #tpu.memory_space<semaphore_mem>>) src(%dma_wait3A_253 : memref<80x128xf32, #tpu.memory_space<vmem>>) dst(%dma_wait3A_259 : memref<10256x128xf32, #tpu.memory_space<vmem_shared>>)
    %rem3A_262 = arith.constant 124 : i32
    %rem3A_263 = arith.constant 8 : i32
    %rem3A_264 = arith.remsi %rem3A_262, %rem3A_263 : i32
    %rem3A_265 = arith.constant 124 : i32
    %rem3A_266 = arith.constant 4 : i32
    %rem3A_267 = arith.remsi %rem3A_265, %rem3A_266 : i32
    %dma_wait3A_268 = arith.constant 0 : i32
    %dma_wait3A_269 = arith.constant 0 : i32
    %dma_wait3A_270 = tpu.memref_slice %arg9[%rem3A_267, %dma_wait3A_268, %dma_wait3A_269] : memref<4x80x128xf32, #tpu.memory_space<vmem>> -> memref<1x80x128xf32, #tpu.memory_space<vmem>>
    %dma_wait3A_271 = tpu.memref_squeeze %dma_wait3A_270 : memref<1x80x128xf32, #tpu.memory_space<vmem>> -> memref<80x128xf32, #tpu.memory_space<vmem>>
    %dma_wait3A_272 = arith.constant 0 : i32
    %dma_wait3A_273 = tpu.memref_slice %arg8[%rem3A_264, %dma_wait3A_272] : memref<8x80xi32, #tpu.memory_space<vmem>> -> memref<1x80xi32, #tpu.memory_space<vmem>>
    %dma_wait3A_274 = tpu.memref_squeeze %dma_wait3A_273 : memref<1x80xi32, #tpu.memory_space<vmem>> -> memref<80xi32, #tpu.memory_space<vmem>>
    %dma_wait3A_275 = arith.constant 0 : i32
    %dma_wait3A_276 = arith.constant 0 : i32
    %dma_wait3A_277 = tpu.memref_slice %arg10[%dma_wait3A_275, %dma_wait3A_276] : memref<10256x128xf32, #tpu.memory_space<vmem_shared>> -> memref<10256x128xf32, #tpu.memory_space<vmem_shared>>
    %dma_wait3A_278 = tpu.memref_slice %arg14[%rem3A_267] : memref<4x!tpu.dma_semaphore, #tpu.memory_space<semaphore_mem>> -> memref<1x!tpu.dma_semaphore, #tpu.memory_space<semaphore_mem>>
    %dma_wait3A_279 = tpu.memref_squeeze %dma_wait3A_278 : memref<1x!tpu.dma_semaphore, #tpu.memory_space<semaphore_mem>> -> memref<!tpu.dma_semaphore, #tpu.memory_space<semaphore_mem>>
    tpu.wait_indirect_dma semaphore(%dma_wait3A_279 : memref<!tpu.dma_semaphore, #tpu.memory_space<semaphore_mem>>) src(%dma_wait3A_271 : memref<80x128xf32, #tpu.memory_space<vmem>>) dst(%dma_wait3A_277 : memref<10256x128xf32, #tpu.memory_space<vmem_shared>>)
    %barrier3A_280 = arith.constant 0 : index
    tpu.barrier barrier_id(%barrier3A_280)
    "tpu.region"() ({
      %run_scoped3A = tpu.sem_alloc : memref<!tpu.dma_semaphore, #tpu.memory_space<semaphore_mem>>
      %dma_start3A_281 = arith.constant 0 : i32
      %dma_start3A_282 = tpu.memref_slice %arg6[%arg0, %multiple_of3A, %dma_start3A_281] : memref<2x10000x128xf32, #tpu.memory_space<hbm>> -> memref<1x632x128xf32, #tpu.memory_space<hbm>>
      %dma_start3A_283 = tpu.memref_squeeze %dma_start3A_282 : memref<1x632x128xf32, #tpu.memory_space<hbm>> -> memref<632x128xf32, #tpu.memory_space<hbm>>
      %dma_start3A_284 = arith.constant 0 : i32
      %dma_start3A_285 = tpu.memref_slice %arg10[%multiple_of3A, %dma_start3A_284] : memref<10256x128xf32, #tpu.memory_space<vmem_shared>> -> memref<632x128xf32, #tpu.memory_space<vmem_shared>>
      tpu.enqueue_dma source(%dma_start3A_285 : memref<632x128xf32, #tpu.memory_space<vmem_shared>>) target(%dma_start3A_283 : memref<632x128xf32, #tpu.memory_space<hbm>>) target_semaphore(%run_scoped3A : memref<!tpu.dma_semaphore, #tpu.memory_space<semaphore_mem>>)
      %dma_wait3A_286 = arith.constant 0 : i32
      %dma_wait3A_287 = tpu.memref_slice %arg6[%arg0, %multiple_of3A, %dma_wait3A_286] : memref<2x10000x128xf32, #tpu.memory_space<hbm>> -> memref<1x632x128xf32, #tpu.memory_space<hbm>>
      %dma_wait3A_288 = tpu.memref_squeeze %dma_wait3A_287 : memref<1x632x128xf32, #tpu.memory_space<hbm>> -> memref<632x128xf32, #tpu.memory_space<hbm>>
      %dma_wait3A_289 = arith.constant 0 : i32
      %dma_wait3A_290 = tpu.memref_slice %arg10[%multiple_of3A, %dma_wait3A_289] : memref<10256x128xf32, #tpu.memory_space<vmem_shared>> -> memref<632x128xf32, #tpu.memory_space<vmem_shared>>
      tpu.wait_dma2 semaphore(%run_scoped3A : memref<!tpu.dma_semaphore, #tpu.memory_space<semaphore_mem>>) src(%dma_wait3A_290 : memref<632x128xf32, #tpu.memory_space<vmem_shared>>) dst(%dma_wait3A_288 : memref<632x128xf32, #tpu.memory_space<hbm>>)
      tpu.yield
    }) : () -> ()
    return
  }
}

module attributes {stable_mosaic.version = 14 : i64} {
  func.func @body(%arg0: i32, %arg1: memref<1000x128xf32, #tpu.memory_space<vmem>>, %arg2: memref<2x1000x128xf32, #tpu.memory_space<vmem>>, %arg3: memref<128x128xf32, #tpu.memory_space<vmem>>, %arg4: memref<1x128xf32, #tpu.memory_space<vmem>>, %arg5: memref<128x128xf32, #tpu.memory_space<vmem>>, %arg6: memref<1x128xf32, #tpu.memory_space<vmem>>, %arg7: memref<1000x128xf32, #tpu.memory_space<vmem>>) attributes {dimension_semantics = [#tpu.dimension_semantics<arbitrary>], iteration_bounds = array<i64: 10>, scalar_prefetch = 0 : i64, scratch_operands = 0 : i64, tpu.core_type = #tpu.core_type<tc>, window_params = [{transform_indices = @transform_0, window_bounds = array<i64: 1000, 128>}, {transform_indices = @transform_1, window_bounds = array<i64: 2, 1000, 128>}, {pipeline_mode = #tpu.pipeline_mode<synchronous>, transform_indices = @transform_2, window_bounds = array<i64: 128, 128>}, {pipeline_mode = #tpu.pipeline_mode<synchronous>, transform_indices = @transform_3, window_bounds = array<i64: 1, 128>}, {pipeline_mode = #tpu.pipeline_mode<synchronous>, transform_indices = @transform_4, window_bounds = array<i64: 128, 128>}, {pipeline_mode = #tpu.pipeline_mode<synchronous>, transform_indices = @transform_5, window_bounds = array<i64: 1, 128>}, {transform_indices = @transform_6, window_bounds = array<i64: 1000, 128>}]} {
    %get3A = arith.constant 0 : index
    %get3A_0 = arith.constant 0 : index
    %get3A_1 = vector.load %arg1[%get3A, %get3A_0] : memref<1000x128xf32, #tpu.memory_space<vmem>>, vector<1000x128xf32>
    %get3A_2 = arith.constant 0 : index
    %get3A_3 = arith.constant 0 : index
    %get3A_4 = arith.constant 0 : index
    %get3A_5 = vector.load %arg2[%get3A_2, %get3A_3, %get3A_4] : memref<2x1000x128xf32, #tpu.memory_space<vmem>>, vector<1x1000x128xf32>
    %get3A_6 = vector.shape_cast %get3A_5 : vector<1x1000x128xf32> to vector<1000x128xf32>
    %add3A = arith.addf %get3A_1, %get3A_6 : vector<1000x128xf32>
    %get3A_7 = arith.constant 1 : index
    %get3A_8 = arith.constant 0 : index
    %get3A_9 = arith.constant 0 : index
    %get3A_10 = vector.load %arg2[%get3A_7, %get3A_8, %get3A_9] : memref<2x1000x128xf32, #tpu.memory_space<vmem>>, vector<1x1000x128xf32>
    %get3A_11 = vector.shape_cast %get3A_10 : vector<1x1000x128xf32> to vector<1000x128xf32>
    %add3A_12 = arith.addf %add3A, %get3A_11 : vector<1000x128xf32>
    %get3A_13 = arith.constant 0 : index
    %get3A_14 = arith.constant 0 : index
    %get3A_15 = vector.load %arg3[%get3A_13, %get3A_14] : memref<128x128xf32, #tpu.memory_space<vmem>>, vector<128x128xf32>
    %dot_general3A = arith.constant dense<0.000000e+00> : vector<1000x128xf32>
    %dot_general3A_16 = tpu.matmul %add3A_12, %get3A_15, %dot_general3A {dimension_numbers = #tpu.dot_dimension_numbers<[1], [0], [0], [1], [0, 0, 1, 1], [], []>, transpose_lhs_hint = false} : vector<1000x128xf32>, vector<128x128xf32>, vector<1000x128xf32> -> vector<1000x128xf32>
    %get3A_17 = arith.constant 0 : index
    %get3A_18 = arith.constant 0 : index
    %get3A_19 = vector.load %arg4[%get3A_17, %get3A_18] : memref<1x128xf32, #tpu.memory_space<vmem>>, vector<1x128xf32>
    %add3A_20 = vector.broadcast %get3A_19 : vector<1x128xf32> to vector<1000x128xf32>
    %add3A_21 = arith.addf %dot_general3A_16, %add3A_20 : vector<1000x128xf32>
    %max3A = arith.constant 0.000000e+00 : f32
    %max3A_22 = vector.broadcast %max3A : f32 to vector<1000x128xf32>
    %max3A_23 = arith.maximumf %add3A_21, %max3A_22 : vector<1000x128xf32>
    %get3A_24 = arith.constant 0 : index
    %get3A_25 = arith.constant 0 : index
    %get3A_26 = vector.load %arg5[%get3A_24, %get3A_25] : memref<128x128xf32, #tpu.memory_space<vmem>>, vector<128x128xf32>
    %dot_general3A_27 = arith.constant dense<0.000000e+00> : vector<1000x128xf32>
    %dot_general3A_28 = tpu.matmul %max3A_23, %get3A_26, %dot_general3A_27 {dimension_numbers = #tpu.dot_dimension_numbers<[1], [0], [0], [1], [0, 0, 1, 1], [], []>, transpose_lhs_hint = false} : vector<1000x128xf32>, vector<128x128xf32>, vector<1000x128xf32> -> vector<1000x128xf32>
    %get3A_29 = arith.constant 0 : index
    %get3A_30 = arith.constant 0 : index
    %get3A_31 = vector.load %arg6[%get3A_29, %get3A_30] : memref<1x128xf32, #tpu.memory_space<vmem>>, vector<1x128xf32>
    %add3A_32 = vector.broadcast %get3A_31 : vector<1x128xf32> to vector<1000x128xf32>
    %add3A_33 = arith.addf %dot_general3A_28, %add3A_32 : vector<1000x128xf32>
    %max3A_34 = arith.constant 0.000000e+00 : f32
    %max3A_35 = vector.broadcast %max3A_34 : f32 to vector<1000x128xf32>
    %max3A_36 = arith.maximumf %add3A_33, %max3A_35 : vector<1000x128xf32>
    %swap3A = arith.constant 0 : index
    %swap3A_37 = arith.constant 0 : index
    %swap3A_38 = vector.load %arg7[%swap3A, %swap3A_37] : memref<1000x128xf32, #tpu.memory_space<vmem>>, vector<1000x128xf32>
    tpu.vector_store %arg7[%swap3A, %swap3A_37], %max3A_36 {strides = array<i32>} : memref<1000x128xf32, #tpu.memory_space<vmem>>, vector<1000x128xf32>,
    return
  }
  func.func @transform_0(%arg0: i32) -> (i32, i32) {
    %c0_i32 = arith.constant 0 : i32
    %c0_i32_0 = arith.constant 0 : i32
    return %arg0, %c0_i32 : i32, i32
  }
  func.func @transform_1(%arg0: i32) -> (i32, i32, i32) {
    %c0_i32 = arith.constant 0 : i32
    %c0_i32_0 = arith.constant 0 : i32
    %c0_i32_1 = arith.constant 0 : i32
    return %c0_i32, %arg0, %c0_i32_0 : i32, i32, i32
  }
  func.func @transform_2(%arg0: i32) -> (i32, i32) {
    %c0_i32 = arith.constant 0 : i32
    %c0_i32_0 = arith.constant 0 : i32
    %c0_i32_1 = arith.constant 0 : i32
    return %c0_i32, %c0_i32_0 : i32, i32
  }
  func.func @transform_3(%arg0: i32) -> (i32, i32) {
    %c0_i32 = arith.constant 0 : i32
    %c0_i32_0 = arith.constant 0 : i32
    %c0_i32_1 = arith.constant 0 : i32
    return %c0_i32, %c0_i32_0 : i32, i32
  }
  func.func @transform_4(%arg0: i32) -> (i32, i32) {
    %c0_i32 = arith.constant 0 : i32
    %c0_i32_0 = arith.constant 0 : i32
    %c0_i32_1 = arith.constant 0 : i32
    return %c0_i32, %c0_i32_0 : i32, i32
  }
  func.func @transform_5(%arg0: i32) -> (i32, i32) {
    %c0_i32 = arith.constant 0 : i32
    %c0_i32_0 = arith.constant 0 : i32
    %c0_i32_1 = arith.constant 0 : i32
    return %c0_i32, %c0_i32_0 : i32, i32
  }
  func.func @transform_6(%arg0: i32) -> (i32, i32) {
    %c0_i32 = arith.constant 0 : i32
    %c0_i32_0 = arith.constant 0 : i32
    return %arg0, %c0_i32 : i32, i32
  }
}

module attributes {stable_mosaic.version = 14 : i64} {
  func.func @body(%arg0: i32, %arg1: memref<1000x128xf32, #tpu.memory_space<vmem>>, %arg2: memref<2x1000x128xf32, #tpu.memory_space<vmem>>, %arg3: memref<128x512xf32, #tpu.memory_space<vmem>>, %arg4: memref<1x512xf32, #tpu.memory_space<vmem>>, %arg5: memref<512x512xf32, #tpu.memory_space<vmem>>, %arg6: memref<1x512xf32, #tpu.memory_space<vmem>>, %arg7: memref<512x128xf32, #tpu.memory_space<vmem>>, %arg8: memref<1x128xf32, #tpu.memory_space<vmem>>, %arg9: memref<10x128xf32, #tpu.memory_space<vmem>>) attributes {dimension_semantics = [#tpu.dimension_semantics<arbitrary>], iteration_bounds = array<i64: 10>, scalar_prefetch = 0 : i64, scratch_operands = 0 : i64, tpu.core_type = #tpu.core_type<tc>, window_params = [{transform_indices = @transform_0, window_bounds = array<i64: 1000, 128>}, {transform_indices = @transform_1, window_bounds = array<i64: 2, 1000, 128>}, {pipeline_mode = #tpu.pipeline_mode<synchronous>, transform_indices = @transform_2, window_bounds = array<i64: 128, 512>}, {pipeline_mode = #tpu.pipeline_mode<synchronous>, transform_indices = @transform_3, window_bounds = array<i64: 1, 512>}, {pipeline_mode = #tpu.pipeline_mode<synchronous>, transform_indices = @transform_4, window_bounds = array<i64: 512, 512>}, {pipeline_mode = #tpu.pipeline_mode<synchronous>, transform_indices = @transform_5, window_bounds = array<i64: 1, 512>}, {pipeline_mode = #tpu.pipeline_mode<synchronous>, transform_indices = @transform_6, window_bounds = array<i64: 512, 128>}, {pipeline_mode = #tpu.pipeline_mode<synchronous>, transform_indices = @transform_7, window_bounds = array<i64: 1, 128>}, {pipeline_mode = #tpu.pipeline_mode<synchronous>, transform_indices = @transform_8, window_bounds = array<i64: 10, 128>}]} {
    %get3A = arith.constant 0 : index
    %get3A_0 = arith.constant 0 : index
    %get3A_1 = vector.load %arg1[%get3A, %get3A_0] : memref<1000x128xf32, #tpu.memory_space<vmem>>, vector<1000x128xf32>
    %get3A_2 = arith.constant 0 : index
    %get3A_3 = arith.constant 0 : index
    %get3A_4 = arith.constant 0 : index
    %get3A_5 = vector.load %arg2[%get3A_2, %get3A_3, %get3A_4] : memref<2x1000x128xf32, #tpu.memory_space<vmem>>, vector<1x1000x128xf32>
    %get3A_6 = vector.shape_cast %get3A_5 : vector<1x1000x128xf32> to vector<1000x128xf32>
    %add3A = arith.addf %get3A_1, %get3A_6 : vector<1000x128xf32>
    %get3A_7 = arith.constant 1 : index
    %get3A_8 = arith.constant 0 : index
    %get3A_9 = arith.constant 0 : index
    %get3A_10 = vector.load %arg2[%get3A_7, %get3A_8, %get3A_9] : memref<2x1000x128xf32, #tpu.memory_space<vmem>>, vector<1x1000x128xf32>
    %get3A_11 = vector.shape_cast %get3A_10 : vector<1x1000x128xf32> to vector<1000x128xf32>
    %add3A_12 = arith.addf %add3A, %get3A_11 : vector<1000x128xf32>
    %get3A_13 = arith.constant 0 : index
    %get3A_14 = arith.constant 0 : index
    %get3A_15 = vector.load %arg3[%get3A_13, %get3A_14] : memref<128x512xf32, #tpu.memory_space<vmem>>, vector<128x512xf32>
    %dot_general3A = arith.constant dense<0.000000e+00> : vector<1000x512xf32>
    %dot_general3A_16 = tpu.matmul %add3A_12, %get3A_15, %dot_general3A {dimension_numbers = #tpu.dot_dimension_numbers<[1], [0], [0], [1], [0, 0, 1, 1], [], []>, transpose_lhs_hint = false} : vector<1000x128xf32>, vector<128x512xf32>, vector<1000x512xf32> -> vector<1000x512xf32>
    %get3A_17 = arith.constant 0 : index
    %get3A_18 = arith.constant 0 : index
    %get3A_19 = vector.load %arg4[%get3A_17, %get3A_18] : memref<1x512xf32, #tpu.memory_space<vmem>>, vector<1x512xf32>
    %add3A_20 = vector.broadcast %get3A_19 : vector<1x512xf32> to vector<1000x512xf32>
    %add3A_21 = arith.addf %dot_general3A_16, %add3A_20 : vector<1000x512xf32>
    %max3A = arith.constant 0.000000e+00 : f32
    %max3A_22 = vector.broadcast %max3A : f32 to vector<1000x512xf32>
    %max3A_23 = arith.maximumf %add3A_21, %max3A_22 : vector<1000x512xf32>
    %reduce_sum3A = arith.constant dense<0.000000e+00> : vector<512xf32>
    %reduce_sum3A_24 = vector.multi_reduction <add>, %max3A_23, %reduce_sum3A [0] : vector<1000x512xf32> to vector<512xf32>
    %broadcast_in_dim3A = vector.shape_cast %reduce_sum3A_24 : vector<512xf32> to vector<1x512xf32>
    %mul3A = arith.constant 1.000000e-03 : f32
    %mul3A_25 = vector.broadcast %mul3A : f32 to vector<1x512xf32>
    %mul3A_26 = arith.mulf %broadcast_in_dim3A, %mul3A_25 : vector<1x512xf32>
    %get3A_27 = arith.constant 0 : index
    %get3A_28 = arith.constant 0 : index
    %get3A_29 = vector.load %arg5[%get3A_27, %get3A_28] : memref<512x512xf32, #tpu.memory_space<vmem>>, vector<512x512xf32>
    %dot_general3A_30 = arith.constant dense<0.000000e+00> : vector<1x512xf32>
    %dot_general3A_31 = tpu.matmul %mul3A_26, %get3A_29, %dot_general3A_30 {dimension_numbers = #tpu.dot_dimension_numbers<[1], [0], [0], [1], [0, 0, 1, 1], [], []>, transpose_lhs_hint = false} : vector<1x512xf32>, vector<512x512xf32>, vector<1x512xf32> -> vector<1x512xf32>
    %get3A_32 = arith.constant 0 : index
    %get3A_33 = arith.constant 0 : index
    %get3A_34 = vector.load %arg6[%get3A_32, %get3A_33] : memref<1x512xf32, #tpu.memory_space<vmem>>, vector<1x512xf32>
    %add3A_35 = arith.addf %dot_general3A_31, %get3A_34 : vector<1x512xf32>
    %get3A_36 = arith.constant 0 : index
    %get3A_37 = arith.constant 0 : index
    %get3A_38 = vector.load %arg7[%get3A_36, %get3A_37] : memref<512x128xf32, #tpu.memory_space<vmem>>, vector<512x128xf32>
    %dot_general3A_39 = arith.constant dense<0.000000e+00> : vector<1x128xf32>
    %dot_general3A_40 = tpu.matmul %add3A_35, %get3A_38, %dot_general3A_39 {dimension_numbers = #tpu.dot_dimension_numbers<[1], [0], [0], [1], [0, 0, 1, 1], [], []>, transpose_lhs_hint = false} : vector<1x512xf32>, vector<512x128xf32>, vector<1x128xf32> -> vector<1x128xf32>
    %get3A_41 = arith.constant 0 : index
    %get3A_42 = arith.constant 0 : index
    %get3A_43 = vector.load %arg8[%get3A_41, %get3A_42] : memref<1x128xf32, #tpu.memory_space<vmem>>, vector<1x128xf32>
    %add3A_44 = arith.addf %dot_general3A_40, %get3A_43 : vector<1x128xf32>
    %swap3A = arith.index_cast %arg0 : i32 to index
    %swap3A_45 = arith.constant 0 : index
    %swap3A_46 = vector.load %arg9[%swap3A, %swap3A_45] : memref<10x128xf32, #tpu.memory_space<vmem>>, vector<1x128xf32>
    tpu.vector_store %arg9[%swap3A, %swap3A_45], %add3A_44 {strides = array<i32>} : memref<10x128xf32, #tpu.memory_space<vmem>>, vector<1x128xf32>,
    return
  }
  func.func @transform_0(%arg0: i32) -> (i32, i32) {
    %c0_i32 = arith.constant 0 : i32
    %c0_i32_0 = arith.constant 0 : i32
    return %arg0, %c0_i32 : i32, i32
  }
  func.func @transform_1(%arg0: i32) -> (i32, i32, i32) {
    %c0_i32 = arith.constant 0 : i32
    %c0_i32_0 = arith.constant 0 : i32
    %c0_i32_1 = arith.constant 0 : i32
    return %c0_i32, %arg0, %c0_i32_0 : i32, i32, i32
  }
  func.func @transform_2(%arg0: i32) -> (i32, i32) {
    %c0_i32 = arith.constant 0 : i32
    %c0_i32_0 = arith.constant 0 : i32
    %c0_i32_1 = arith.constant 0 : i32
    return %c0_i32, %c0_i32_0 : i32, i32
  }
  func.func @transform_3(%arg0: i32) -> (i32, i32) {
    %c0_i32 = arith.constant 0 : i32
    %c0_i32_0 = arith.constant 0 : i32
    %c0_i32_1 = arith.constant 0 : i32
    return %c0_i32, %c0_i32_0 : i32, i32
  }
  func.func @transform_4(%arg0: i32) -> (i32, i32) {
    %c0_i32 = arith.constant 0 : i32
    %c0_i32_0 = arith.constant 0 : i32
    %c0_i32_1 = arith.constant 0 : i32
    return %c0_i32, %c0_i32_0 : i32, i32
  }
  func.func @transform_5(%arg0: i32) -> (i32, i32) {
    %c0_i32 = arith.constant 0 : i32
    %c0_i32_0 = arith.constant 0 : i32
    %c0_i32_1 = arith.constant 0 : i32
    return %c0_i32, %c0_i32_0 : i32, i32
  }
  func.func @transform_6(%arg0: i32) -> (i32, i32) {
    %c0_i32 = arith.constant 0 : i32
    %c0_i32_0 = arith.constant 0 : i32
    %c0_i32_1 = arith.constant 0 : i32
    return %c0_i32, %c0_i32_0 : i32, i32
  }
  func.func @transform_7(%arg0: i32) -> (i32, i32) {
    %c0_i32 = arith.constant 0 : i32
    %c0_i32_0 = arith.constant 0 : i32
    %c0_i32_1 = arith.constant 0 : i32
    return %c0_i32, %c0_i32_0 : i32, i32
  }
  func.func @transform_8(%arg0: i32) -> (i32, i32) {
    %c0_i32 = arith.constant 0 : i32
    %c0_i32_0 = arith.constant 0 : i32
    %c0_i32_1 = arith.constant 0 : i32
    return %c0_i32, %c0_i32_0 : i32, i32
  }
}

</mosaic_0001>

<sc_bundles>
// kernel: kernel.6.cloned.1.call-start
scs
__scs_entry_jumppad:
0x0: {  	(pc) =	sbr.rel $0x88, $3  }
0x1: {  	(tag) =	ssettag $0x0;
	lr =	simm.s32 $0x1  }
0x2: {  	[smem:$0x3F94] =	sst lr;
	_ =	strace $0xD0000000  }
0x3: {  	_ = 	snop  }
0x4: {  	_ = 	snop  }
0x5: {  	_ = 	snop  }
0x6: {  	_ = 	snop  }
0x7: {  	_ = 	snop  }
__scs_overlays_trampoline_lowered:
0x8: {  	[smem:$0x3FA3] =	sst s0  }
0x9: {  	[smem:$0x3FA4] =	sst s1  }
0xa: {  	[smem:$0x3FA5] =	sst s2  }
0xb: {  	[smem:$0x3FA6] =	sst s3  }
0xc: {  	[smem:$0x3FA7] =	sst s4  }
0xd: {  	[smem:$0x3FA8] =	sst s5  }
0xe: {  	[smem:$0x3FA9] =	sst s6  }
0xf: {  	[smem:$0x3FAA] =	sst s7  }
0x10: {  	[smem:$0x3FAB] =	sst s8  }
0x11: {  	[smem:$0x3FAC] =	sst s9;
	s0 =	simm.s32 @!p0 $0x0  }
0x12: {  	s1 =	sld [smem:$0x3F92];
	s0 =	simm.s32 @p0 $0x1  }
0x13: {  	[smem:$0x3FAD] =	sst s0;
	s0 =	simm.s32 @!p1 $0x0  }
0x14: {  	s2 =	sld [smem:$0x3F91];
	s0 =	simm.s32 @p1 $0x1  }
0x15: {  	[smem:$0x3FAE] =	sst s0;
	s0 =	simm.s32 @!p2 $0x0  }
0x16: {  	s3 =	sld [smem:$0x3FDB];
	s0 =	simm.s32 @p2 $0x1  }
0x17: {  	s4 =	simm.s32 $0x1BF5;
	[smem:$0x3FB0] =	sst s0  }
0x18: {  	s0 =	sld [smem:$0x3F93];
	_ =	swait.ge [sflag:s4], $0x0  }
0x19: {  	s7 =	sld [smem:$0x3F94]  }
0x1a: {  	s8 =	sadd.s32 $0xFFFFE003, lr  }
0x1b: {  	s9 =	sadd.s32 $0xFFFFFEF7, lr;
	s5 =	simm.s32 $0xFFFFFFFF;
	p2 =	slt.u32 s8, $0xFFFFF086  }
0x1c: {  	p1 =	slt.u32 s9, $0xF7A;
	s5 =	simm.s32 @!p2 $0x0  }
0x1d: {  	s5 =	simm.s32 @p1 $0x1;
	p0 =	seq.s32 s7, s2  }
0x1e: {  	s7 =	smul.u32 @!p0 $0xF7A, s2;
	p2 =	seq.s32 @!p0 s5, $0x0  }
0x1f: {  	s9 =	smul.u32 $0xF7A, s1;
	s8 =	simm.s32 @!p0 $0x1BF5;
	p2 =	por !p2, p0  }
0x20: {  	[sflag:s8] =	ssyncset.s32 @!p0 $0xFFFFF086;
	s6 =	sadd.s32 @!p0 s3, s7;
	s7 =	simm.s32 @!p0 $0x108  }
0x21: {  	s3 =	sadd.s32 s3, s9;
	s6 =	sadd.s32 @!p0 $0x88, s6;
	s7 =	simm.s32 @p2 $0x1082  }
0x22: {  	[simem:s7], [sflag:s8] =	dma.local @!p0 [hbm:s6], $0xF7A  }
0x23: {  	s9 =	sor.u32 $0xD0000000, s2;
	s6 =	simm.s32 $0x108;
	_ =	swait.ge @!p0 [sflag:s8], $0x0  }
0x24: {  	s3 =	sadd.s32 $0x88, s3;
	s6 =	simm.s32 @!p1 $0x1082;
	[sflag:s4] =	ssyncset.s32 $0xFFFFF086  }
0x25: {  	[simem:s6], [sflag:s4] =	dma.local [hbm:s3], $0xF7A  }
0x26: {  	[smem:$0x3F94] =	sst s1;
	(tag) =	ssettag s2;
	_ =	strace s9  }
0x27: {  	s1 =	sld [smem:$0x3FA4]  }
0x28: {  	s2 =	sld [smem:$0x3FA5]  }
0x29: {  	s4 =	sld [smem:$0x3FA7]  }
0x2a: {  	p0 =	seq.s32 s5, $0x0;
	s5 =	sld [smem:$0x3FA8]  }
0x2b: {  	s6 =	sld [smem:$0x3FA9]  }
0x2c: {  	s7 =	sld [smem:$0x3FAA]  }
0x2d: {  	s3 =	simm.s32 $0x108;
	s8 =	sld [smem:$0x3FAB]  }
0x2e: {  	s3 =	simm.s32 @!p0 $0x1082;
	s9 =	sld [smem:$0x3FAC]  }
0x2f: {  	lr =	sadd.s32 s0, s3;
	s0 =	sld [smem:$0x3FA3]  }
0x30: {  	s3 =	sld [smem:$0x3FA6]  }
0x31: {  	[smem:$0x3FAF] =	sst s10  }
0x32: {  	s10 =	sld [smem:$0x3FAD];
	_ =	sdelay $0x3  }
0x33: {  	p0 =	seq.s32 s10, $0x1;
	s10 =	sld [smem:$0x3FAF];
	_ =	sdelay $0x3  }
0x34: {  	[smem:$0x3FAF] =	sst s10  }
0x35: {  	s10 =	sld [smem:$0x3FAE];
	_ =	sdelay $0x3  }
0x36: {  	p1 =	seq.s32 s10, $0x1;
	s10 =	sld [smem:$0x3FAF];
	_ =	sdelay $0x3  }
0x37: {  	[smem:$0x3FAF] =	sst s10  }
0x38: {  	s10 =	sld [smem:$0x3FB0]  }
0x39: {  	_ = 	snop;
	(pc) =	sbr.ind lr, $3  }
0x3a: {  	_ = 	snop  }
0x3b: {  	_ = 	snop  }
0x3c: {  	p2 =	seq.s32 s10, $0x1;
	s10 =	sld [smem:$0x3FAF]  }
0x3d: {  	_ =	shalt  }
0x3e: {  	_ =	shalt  }
0x3f: {  	_ =	shalt  }
0x40: {  	_ =	shalt  }
0x41: {  	_ =	shalt  }
0x42: {  	_ =	shalt  }
0x43: {  	_ =	shalt  }
0x44: {  	_ =	shalt  }
0x45: {  	_ =	shalt  }
0x46: {  	_ =	shalt  }
0x47: {  	_ =	shalt  }
0x48: {  	_ =	shalt  }
0x49: {  	_ =	shalt  }
0x4a: {  	_ =	shalt  }
0x4b: {  	_ =	shalt  }
0x4c: {  	_ =	shalt  }
0x4d: {  	_ =	shalt  }
0x4e: {  	_ =	shalt  }
0x4f: {  	_ =	shalt  }
0x50: {  	_ =	shalt  }
0x51: {  	_ =	shalt  }
0x52: {  	_ =	shalt  }
0x53: {  	_ =	shalt  }
0x54: {  	_ =	shalt  }
0x55: {  	_ =	shalt  }
0x56: {  	_ =	shalt  }
0x57: {  	_ =	shalt  }
0x58: {  	_ =	shalt  }
0x59: {  	_ =	shalt  }
0x5a: {  	_ =	shalt  }
0x5b: {  	_ =	shalt  }
0x5c: {  	_ =	shalt  }
0x5d: {  	_ =	shalt  }
0x5e: {  	_ =	shalt  }
0x5f: {  	_ =	shalt  }
0x60: {  	_ =	shalt  }
0x61: {  	_ =	shalt  }
0x62: {  	_ =	shalt  }
0x63: {  	_ =	shalt  }
0x64: {  	_ =	shalt  }
0x65: {  	_ =	shalt  }
0x66: {  	_ =	shalt  }
0x67: {  	_ =	shalt  }
0x68: {  	_ =	shalt  }
0x69: {  	_ =	shalt  }
0x6a: {  	_ =	shalt  }
0x6b: {  	_ =	shalt  }
0x6c: {  	_ =	shalt  }
0x6d: {  	_ =	shalt  }
0x6e: {  	_ =	shalt  }
0x6f: {  	_ =	shalt  }
0x70: {  	_ =	shalt  }
0x71: {  	_ =	shalt  }
0x72: {  	_ =	shalt  }
0x73: {  	_ =	shalt  }
0x74: {  	_ =	shalt  }
0x75: {  	_ =	shalt  }
0x76: {  	_ =	shalt  }
0x77: {  	_ =	shalt  }
0x78: {  	_ =	shalt  }
0x79: {  	_ =	shalt  }
0x7a: {  	_ =	shalt  }
0x7b: {  	_ =	shalt  }
0x7c: {  	_ =	shalt  }
0x7d: {  	_ =	shalt  }
0x7e: {  	_ =	shalt  }
0x7f: {  	_ =	shalt  }
0x80: {  	_ =	shalt  }
0x81: {  	_ =	shalt  }
0x82: {  	_ =	shalt  }
0x83: {  	_ =	shalt  }
0x84: {  	_ =	shalt  }
0x85: {  	_ =	shalt  }
0x86: {  	_ =	shalt  }
0x87: {  	_ =	shalt  }
.Lfunc_end0:
.L_simem_size_0:
called_computation_lowered:
.L_overlay_start_0:
0x88: {  	s2 =	sld [smem:$0x3FD9]  }
0x89: {  	s3 =	sld [smem:$0x3FFE];
	_ =	sdelay $0x1  }
0x8a: {  	s1 =	srdreg.scid  }
0x8b: {  	s0 =	sand.u32 $0x1, s1  }
0x8c: {  	s17 =	sshll.u32 s0, $0xA;
	s2 =	sadd.s32 s3, s2  }
0x8d: {  	s2 =	sadd.s32 s2, s17  }
0x8e: {  	[smem:$0x3FBB] =	sst s2  }
0x8f: {  	_ = 	snop  }
0x90: {  	s2 =	sld [smem:$0x3FC9];
	(tm) =	ssettm $0x1  }
0x91: {  	s18 =	sld [smem:$0x3FFB];
	_ =	sdelay $0x3  }
0x92: {  	_ =	strace s18  }
0x93: {  	s3 =	sld [smem:$0x3FFC];
	_ =	sdelay $0x3  }
0x94: {  	_ =	strace s3  }
0x95: {  	s3 =	sld [smem:$0x3FFD];
	_ =	sdelay $0x3  }
0x96: {  	_ =	strace s3  }
0x97: {  	_ =	strace $0x8FFFFFFF  }
0x98: {  	s19 =	sld [smem:$0x3FDB];
	_ =	sdelay $0x1  }
0x99: {  	s4 =	simm.s32 $_scs_section_size  }
0x9a: {  	s5 =	simm.s32 $_size__tile_overlayer_lowered;
	s6 =	simm.s32 $_tile_overlayer_lowered  }
0x9b: {  	s22 =	simm.s32 $0x1BFF;
	s21 =	sshll.u32 s6, $0x1;
	s3 =	sadd.s32 s4, s19  }
0x9c: {  	s7 =	simm.s32 $0x0;
	s20 =	sshll.u32 s5, $0x1;
	s5 =	sadd.s32 s21, s3  }
0x9d: {  	[timem:s7], [sflag:s22] =	dma.local [hbm:s5], s20  }
0x9e: {  	_ =	swait.ge [sflag:s22], s20  }
0x9f: {  	s4 =	ssub.s32 $0x0, s20;
	[sflag:s22] =	ssyncset.done $0x0  }
0xa0: {  	[sflag:s22] =	ssyncadd.s32 s4;
	_ =	sdelay $0x1  }
0xa1: {  	s23 =	simm.s32 $0x1B8B  }
0xa2: {  	_ =	swait.ge [sflag:s23], $0x1  }
0xa3: {  	[sflag:s23] =	ssyncset.done $0x0  }
0xa4: {  	s25 =	simm.s32 $0x1B8E;
	s24 =	sld [smem:$0x3FFE];
	[sflag:s23] =	ssyncadd.s32 $0xFFFFFFFF  }
0xa5: {  	s26 =	simm.s32 $execute0_lowered;
	[smem:$0x3FD2] =	sst s25  }
0xa6: {  	s5 =	sshll.u32 s26, $0x1;
	_ =	strace $0x80000046;
	[dreg:$0x1] =	wrdreg $0xFFFFFFFF  }
0xa7: {  	s28 =	simm.s32 $_size_execute0_lowered;
	s3 =	sadd.s32 s3, s5;
	[dreg:$0x0] =	wrdreg $0x0  }
0xa8: {  	s5 =	sshll.u32 s28, $0x1;
	[dreg:$0x2] =	wrdreg s3  }
0xa9: {  	[dreg:$0x3] =	wrdreg s5  }
0xaa: {  	[dreg:$0x4] =	wrdreg $0xC0  }
0xab: {  	_ =	task [dreg:s7], $0x5FFFF  }
0xac: {  	[dreg:$0x1] =	wrdreg $0xFFFFFFFF  }
0xad: {  	[dreg:$0x0] =	wrdreg $0x60  }
0xae: {  	[dreg:$0x2] =	wrdreg s2  }
0xaf: {  	[dreg:$0x3] =	wrdreg s24  }
0xb0: {  	[dreg:$0x4] =	wrdreg $0xA8000  }
0xb1: {  	[dreg:$0x5] =	wrdreg $0x9  }
0xb2: {  	_ =	task.clear_ibuf [dreg:s7], $0x6FFFF;
	_ =	strace $0x90000046  }
0xb3: {  	s29 =	simm.s32 $0x9;
	_ =	strace $0x80000048  }
0xb4: {  	_ =	swait.ge [sflag:s29], $0x1  }
0xb5: {  	[sflag:s29] =	ssyncadd.s32 $0xFFFFFFFF  }
0xb6: {  	_ =	strace $0x90000048  }
0xb7: {  	_ =	sfence  }
0xb8: {  	s30 =	sld [smem:$0x0];
	_ =	sdelay $0x2  }
0xb9: {  	s31 =	sshll.u32 s1, $0xD;
	s1 =	sshrl.u32 s1, $0x2  }
0xba: {  	s3 =	sand.u32 $0x4000, s31;
	s1 =	sadd.s32 s1, s30  }
0xbb: {  	s0 =	sor.u32 s3, s0;
	s1 =	sshll.u32 s1, $0x11  }
0xbc: {  	s0 =	sor.u32 s1, s0  }
0xbd: {  	s0 =	sadd.s32 $0x8F2B, s0  }
0xbe: {  	[sflag:s0] =	ssyncadd.remote.s32 $0x1  }
0xbf: {  	_ =	sfence.sel $0xFFFF  }
0xc0: {  	[dreg:$0x0] =	wrdreg $0xFFFFFFFF;
	(pc) =	sbr.abs _section_cstart, $3  }
0xc1: {  	[dreg:$0x1] =	wrdreg $0xFFFFFFFF  }
0xc2: {  	_ =	task.clear_ibuf [dreg:s7], $0x2FFFF;
	_ =	strace $0x9FFFFFFF  }
0xc3: {  	(tm) =	ssettm $0x7FFFFFFF  }
tec
execute0_lowered:
.L_overlay_start_1:
0x0: {  	(tag) =	ssettag $0x1  }
0x1: {  	s1 =	rddreg [dreg:$0x0]  }
0x2: {  	s0 =	rddreg [dreg:$0x1]  }
0x3: {  	s2 =	rddreg [dreg:$0x2]  }
0x4: {  	s4 =	simm.s32 $0x0;
	s13 =	stileid.u32;
	s6 =	srdreg.scid  }
0x5: {  	s30 =	simm.s32 $0x19;
	s31 =	simm.s32 $0x50;
	s29 =	simm.s32 $0xD  }
0x6: {  	[smem:$0x7FF] =	sst s4;
	s3 =	sadd.s32 $0xC200, s0;
	s5 =	smul.u32 $0x278, s13  }
0x7: {  	s7 =	sadd.s32 $0x2400, s0;
	s6 =	sand.u32 $0x1, s6;
	s20 =	smul.u32 $0x4E20, s13  }
0x8: {  	s8 =	sshll.u32 s13, $0x1;
	s23 =	sshll.u32 s13, $0x6;
	s9 =	smul.u32 $0x138800, s6  }
0x9: {  	s8 =	sor.u32 s6, s8;
	s11 =	ssub.s32 $0x2, s6;
	s6 =	smul.u32 $0x2710, s6  }
0xa: {  	_ =	strace $0x80000047;
	s5 =	smin.u32 s5, $0x2498;
	s8 =	smul.u32 $0x2710, s8  }
0xb: {  	s12 =	sshrl.u32 s11, $0x1;
	s10 =	sshll.u32 s5, $0x4;
	s5 =	sshll.u32 s5, $0x7  }
0xc: {  	s28 =	ssub.s32 s11, s12;
	s24 =	sadd.s32 s6, s20;
	s6 =	simm.s32 $0x16  }
0xd: {  	s10 =	sadd.s32 s10, s0;
	s9 =	sadd.s32 s9, s5;
	s5 =	sadd.s32 s5, s2  }
0xe: {  	s8 =	sshrl.u32 s8, $0x3;
	s25 =	smax.u32 s28, $0x1;
	[dreg:$0xc] =	wrdreg s5  }
0xf: {  	s9 =	sshrl.u32 s9, $0x3;
	s12 =	sadd.s32 s3, s8;
	[dreg:$0xf] =	wrdreg s25  }
0x10: {  	s14 =	sadd.s32 s7, s8;
	s15 =	sadd.s32 $0xA, s8;
	[dreg:$0x4] =	wrdreg s12  }
0x11: {  	s16 =	sadd.s32 $0x14, s8;
	s22 =	sadd.s32 $0x16000, s10;
	[dreg:$0x5] =	wrdreg s14  }
0x12: {  	s19 =	sadd.s32 $0x1E, s8;
	s14 =	sadd.s32 s3, s15;
	[dreg:$0xd] =	wrdreg s22  }
0x13: {  	s26 =	sadd.s32 $0x28, s8;
	s11 =	sadd.s32 s7, s15;
	[dreg:$0x6] =	wrdreg s14  }
0x14: {  	s8 =	simm.s32 $0x18;
	s17 =	sadd.s32 s3, s16;
	[dreg:$0x7] =	wrdreg s11  }
0x15: {  	s10 =	simm.s32 $0x0;
	s18 =	sadd.s32 s7, s16;
	[dreg:$0x8] =	wrdreg s17  }
0x16: {  	s0 =	sadd.s32 s9, s0;
	s21 =	sadd.s32 s3, s19;
	[dreg:$0x9] =	wrdreg s18  }
0x17: {  	s15 =	sor.u32 $0x1C19, s23;
	s28 =	sadd.s32 s3, s26;
	[dreg:$0xa] =	wrdreg s21  }
0x18: {  	s5 =	sadd.s32 s7, s26;
	s9 =	simm.s32 $0x15;
	[dreg:$0x10] =	wrdreg s28  }
0x19: {  	s11 =	sadd.s32 s7, s19;
	s0 =	sadd.s32 $0x3D200, s0;
	[dreg:$0x11] =	wrdreg s5  }
0x1a: {  	s5 =	simm.s32 $0x8;
	[dreg:$0xe] =	wrdreg s0;
	s0 =	sadd.s32 $0x190, s24  }
0x1b: {  	[dreg:$0xb] =	wrdreg s11;
	s24 =	simm.s32 $0x1;
	s0 =	sshrl.u32 s0, $0x3  }
0x1c: {  	s16 =	sadd.s32 s0, s7;
	s17 =	sadd.s32 s0, s3;
	s7 =	simm.s32 $0x17  }
.LBB2_1:
0x1d: {  	s0 =	rddreg [dreg:$0x4]  }
0x1e: {  	s21 =	rddreg [dreg:$0x5]  }
0x1f: {  	s22 =	rddreg [dreg:$0x6]  }
0x20: {  	[tilespmem:s4], [sflag:$0x5] =	stream.linear.gather [hbm4b:s0+s4], $0x50, $0x38;
	[tilespmem:$0x1E880] =	vst v63  }
0x21: {  	s3 =	simm.s32 $0x400;
	s23 =	rddreg [dreg:$0x7]  }
0x22: {  	[tilespmem:s3], [sflag:$0xD] =	stream.linear.gather [hbm4b:s21+s4], $0x50, $0x38;
	[tilespmem:$0x1E880] =	vst v63  }
0x23: {  	s12 =	simm.s32 $0x80;
	s25 =	rddreg [dreg:$0x8]  }
0x24: {  	[tilespmem:s12], [sflag:$0x6] =	stream.linear.gather [hbm4b:s22+s4], $0x50, $0x38;
	[tilespmem:$0x1E880] =	vst v63  }
0x25: {  	s11 =	simm.s32 $0x480;
	s26 =	rddreg [dreg:$0x9]  }
0x26: {  	[tilespmem:s11], [sflag:$0xE] =	stream.linear.gather [hbm4b:s23+s4], $0x50, $0x38;
	[tilespmem:$0x1E880] =	vst v63  }
0x27: {  	s13 =	simm.s32 $0x100;
	s14 =	rddreg [dreg:$0xa]  }
0x28: {  	[tilespmem:s13], [sflag:$0x7] =	stream.linear.gather [hbm4b:s25+s4], $0x50, $0x38;
	[tilespmem:$0x1E880] =	vst v63  }
0x29: {  	s28 =	simm.s32 $0x500;
	s19 =	rddreg [dreg:$0xb]  }
0x2a: {  	[tilespmem:s28], [sflag:$0xF] =	stream.linear.gather [hbm4b:s26+s4], $0x50, $0x38;
	[tilespmem:$0x1E880] =	vst v63  }
0x2b: {  	s18 =	simm.s32 $0x180;
	s21 =	rddreg [dreg:$0xc]  }
0x2c: {  	[tilespmem:s18], [sflag:$0x8] =	stream.linear.gather [hbm4b:s14+s4], $0x50, $0x38;
	[tilespmem:$0x1E880] =	vst v63  }
0x2d: {  	s20 =	simm.s32 $0x580;
	s22 =	rddreg [dreg:$0xd];
	s11 =	sshrl.u32 s21, $0x3  }
0x2e: {  	[tilespmem:s20], [sflag:$0x10] =	stream.linear.gather [hbm4b:s19+s4], $0x50, $0x38;
	[tilespmem:$0x1E880] =	vst v63  }
0x2f: {  	[spmem:s11], [sflag:s15] =	dma.local [hbm:s22], $0x2780  }
0x30: {  	_ =	swait.ge [sflag:s30], $0x2780  }
0x31: {  	[sflag:s30] =	ssyncset.done $0x0  }
0x32: {  	[sflag:s30] =	ssyncadd.s32 $0xFFFFD880  }
0x33: {  	s14 =	simm.s32 $0x5;
	[bflag:$0x0] =	sbarrier.arrive $0xFFFF  }
0x34: {  	_ =	swait.ge [sflag:s14], $0x50  }
0x35: {  	[sflag:s14] =	ssyncset.done $0x0  }
0x36: {  	s23 =	simm.s32 $0x800;
	s19 =	simm.s32 $0x6;
	[sflag:s14] =	ssyncadd.s32 $0xFFFFFFB0  }
0x37: {  	[tilespmem:s23], [sflag:$0x1] =	stream.indirect.gather [hbm4b:s1+s31], $0x80, s4, s31, $0xb8;
	[tilespmem:$0x1E880] =	vst v63  }
0x38: {  	_ =	swait.ge [sflag:s19], $0x50  }
0x39: {  	[sflag:s19] =	ssyncset.done $0x0  }
0x3a: {  	s25 =	simm.s32 $0x3000;
	s26 =	simm.s32 $0x7;
	[sflag:s19] =	ssyncadd.s32 $0xFFFFFFB0  }
0x3b: {  	[tilespmem:s25], [sflag:$0x2] =	stream.indirect.gather [hbm4b:s1+s31], $0x80, s12, s31, $0xb8;
	[tilespmem:$0x1E880] =	vst v63  }
0x3c: {  	_ =	swait.ge [sflag:s26], $0x50  }
0x3d: {  	[sflag:s26] =	ssyncset.done $0x0  }
0x3e: {  	s28 =	simm.s32 $0x5800;
	[sflag:s26] =	ssyncadd.s32 $0xFFFFFFB0  }
0x3f: {  	[tilespmem:s28], [sflag:$0x3] =	stream.indirect.gather [hbm4b:s1+s31], $0x80, s13, s31, $0xb8;
	[tilespmem:$0x1E880] =	vst v63  }
0x40: {  	_ =	swait.ge [sflag:s24], $0x2800  }
0x41: {  	[sflag:s24] =	ssyncset.done $0x0  }
0x42: {  	[sflag:s24] =	ssyncadd.s32 $0xFFFFD800  }
0x43: {  	_ =	swait.ge [sflag:s29], $0x50  }
0x44: {  	[sflag:s29] =	ssyncset.done $0x0  }
0x45: {  	[sflag:s29] =	ssyncadd.s32 $0xFFFFFFB0  }
0x46: {  	[spmem:s2] =	stream.indirect.scatter.add.f32 [tilespmem:s23], [sflag:$0x15], $0x80, s3, s31, $0xb8;
	[tilespmem:$0x1E880] =	vst v63  }
0x47: {  	p0 =	por $0x0, $0x0;
	_ =	swait.ge [sflag:s5], $0x50  }
0x48: {  	p1 =	por @!p0 $0x0, $0x0;
	s20 =	simm.s32 $0x200;
	[sflag:s5] =	ssyncset.done $0x0  }
0x49: {  	s13 =	simm.s32 $0x8000;
	s23 =	simm.s32 $0x1;
	[sflag:s5] =	ssyncadd.s32 $0xFFFFFFB0  }
0x4a: {  	[tilespmem:s13], [sflag:$0x4] =	stream.indirect.gather [hbm4b:s1+s31], $0x80, s18, s31, $0xb8;
	[tilespmem:$0x1E880] =	vst v63  }
0x4b: {  	s22 =	simm.s32 $0x600;
	s25 =	sand.u32 $0x3, s23;
	s19 =	rddreg [dreg:$0x10]  }
0x4c: {  	[tilespmem:s20], [sflag:$0x9] =	stream.linear.gather [hbm4b:s19+s4], $0x50, $0x38;
	[tilespmem:$0x1E880] =	vst v63  }
0x4d: {  	s21 =	rddreg [dreg:$0x11];
	s26 =	smul.u32 $0xA000, s25;
	s28 =	sadd.s32 $0x1, s25  }
0x4e: {  	[tilespmem:s22], [sflag:$0x11] =	stream.linear.gather [hbm4b:s21+s4], $0x50, $0x38;
	[tilespmem:$0x1E880] =	vst v63  }
0x4f: {  	p1 =	por p1, p0;
	s12 =	sand.u32 $0x7, s23;
	_ =	swait.ge [sflag:s28], $0x2800  }
0x50: {  	s18 =	sshrl.u32 s26, $0x2;
	s13 =	sadd.s32 $0x15, s25;
	[sflag:s28] =	ssyncset.done $0x0  }
0x51: {  	s18 =	sadd.s32 $0x800, s18;
	s20 =	sadd.s32 $0xD, s12;
	[sflag:s28] =	ssyncadd.s32 $0xFFFFD800  }
0x52: {  	s12 =	sshll.u32 s12, $0x7;
	s19 =	simm.s32 @!p0 $0x4;
	_ =	swait.ge [sflag:s20], $0x50  }
0x53: {  	s12 =	sor.u32 $0x400, s12;
	s21 =	sand.u32 @!p0 $0x3, s19;
	[sflag:s20] =	ssyncset.done $0x0  }
0x54: {  	s22 =	smul.u32 @!p0 $0xA000, s21;
	[sflag:s20] =	ssyncadd.s32 $0xFFFFFFB0;
	s20 =	sadd.s32 @!p0 $0x15, s21  }
0x55: {  	[spmem:s2] =	stream.indirect.scatter.add.f32 [tilespmem:s18], [sflag:s13], $0x80, s12, s31, $0xb8;
	[tilespmem:$0x1E880] =	vst v63  }
0x56: {  	s28 =	sand.u32 @!p1 $0x7, s14;
	s14 =	sadd.s32 $0xA, s17;
	_ =	swait.ge @!p0 [sflag:s20], $0x2800  }
0x57: {  	s23 =	sshll.u32 @!p1 s28, $0x7;
	s18 =	sand.u32 @!p0 $0x7, s19;
	[sflag:s20] =	ssyncset.done @!p0 $0x0  }
0x58: {  	s19 =	sshrl.u32 @!p0 s22, $0x2;
	s22 =	sadd.s32 @!p0 $0x5, s18;
	[sflag:s20] =	ssyncadd.s32 @!p0 $0xFFFFD800  }
0x59: {  	s25 =	sadd.s32 @!p1 $0x5, s28;
	s12 =	simm.s32 $0x6;
	_ =	swait.ge @!p0 [sflag:s22], $0x50  }
0x5a: {  	s19 =	sadd.s32 @!p0 $0x800, s19;
	s18 =	sshll.u32 @!p0 s18, $0x7;
	[sflag:s22] =	ssyncset.done @!p0 $0x0  }
0x5b: {  	s20 =	sadd.s32 @!p0 $0x1, s21;
	s21 =	simm.s32 @!p0 $0x50;
	[sflag:s22] =	ssyncadd.s32 @!p0 $0xFFFFFFB0  }
0x5c: {  	[tilespmem:s19], [sflag:s20] =	stream.indirect.gather @!p0 [hbm4b:s1+s21], $0x80, s18, s21, $0xb8;
	[tilespmem:$0x1E880] =	vst v63  }
0x5d: {  	s13 =	sadd.s32 $0xA, s16;
	s22 =	sadd.s32 @!p1 $0xD, s28;
	s18 =	simm.s32 @!p1 $0x0  }
0x5e: {  	s19 =	sor.u32 @!p1 $0x400, s23;
	s21 =	smov.u32 s17;
	s20 =	smov.u32 s16  }
.LBB2_2:
0x5f: {  	[tilespmem:s23], [sflag:s25] =	stream.linear.gather @!p1 [hbm4b:s21+s18], $0x50, $0x38;
	[tilespmem:$0x1E880] =	vst v63  }
0x60: {  	s23 =	sadd.s32 $0xFFFFFFFC, s12;
	s25 =	smov.u32 s12;
	s12 =	sadd.s32 $0x1, s12  }
0x61: {  	s28 =	sand.u32 $0x7, s23;
	s0 =	sand.u32 $0x3, s23;
	p0 =	sne.s32 s12, $0x81  }
0x62: {  	s21 =	smov.u32 s14;
	s3 =	smul.u32 $0xA000, s0;
	s26 =	sadd.s32 $0x1, s0  }
0x63: {  	[tilespmem:s19], [sflag:s22] =	stream.linear.gather @!p1 [hbm4b:s20+s18], $0x50, $0x38;
	[tilespmem:$0x1E880] =	vst v63  }
0x64: {  	s3 =	sshrl.u32 s3, $0x2;
	s20 =	smov.u32 s13;
	_ =	swait.ge [sflag:s26], $0x2800  }
0x65: {  	s18 =	sadd.s32 $0xD, s28;
	s19 =	sshll.u32 s28, $0x7;
	[sflag:s26] =	ssyncset.done $0x0  }
0x66: {  	p2 =	sgt.u32 s23, $0x79;
	s0 =	sadd.s32 $0x15, s0;
	[sflag:s26] =	ssyncadd.s32 $0xFFFFD800  }
0x67: {  	s22 =	sadd.s32 @!p2 $0xFFFFFFFF, s25;
	s19 =	sor.u32 $0x400, s19;
	_ =	swait.ge [sflag:s18], $0x50  }
0x68: {  	s3 =	sadd.s32 $0x800, s3;
	s23 =	sand.u32 @!p2 $0x3, s22;
	[sflag:s18] =	ssyncset.done $0x0  }
0x69: {  	s26 =	smul.u32 @!p2 $0xA000, s23;
	[sflag:s18] =	ssyncadd.s32 $0xFFFFFFB0;
	s18 =	sadd.s32 @!p2 $0x15, s23  }
0x6a: {  	s14 =	sadd.s32 $0xA, s14;
	s13 =	sadd.s32 $0xA, s13;
	s22 =	sand.u32 @!p2 $0x7, s22  }
0x6b: {  	[spmem:s2] =	stream.indirect.scatter.add.f32 [tilespmem:s3], [sflag:s0], $0x80, s19, s31, $0xb8;
	[tilespmem:$0x1E880] =	vst v63  }
0x6c: {  	s0 =	sadd.s32 @!p2 $0x5, s22;
	s3 =	sshrl.u32 @!p2 s26, $0x2;
	_ =	swait.ge @!p2 [sflag:s18], $0x2800  }
0x6d: {  	s19 =	sadd.s32 @!p2 $0x1, s23;
	s3 =	sadd.s32 @!p2 $0x800, s3;
	[sflag:s18] =	ssyncset.done @!p2 $0x0  }
0x6e: {  	p1 =	seq.s32 @!p2 s25, $0x7D;
	[sflag:s18] =	ssyncadd.s32 @!p2 $0xFFFFD800;
	s18 =	sshll.u32 @!p2 s22, $0x7  }
.Ltmp0:
0x6f: {  	p1 =	por p1, p2;
	_ =	swait.ge @!p2 [sflag:s0], $0x50;
	(pc) =	sbr.rel @p0 .LBB2_2-.Ltmp0, $4  }
0x70: {  	s26 =	sand.u32 @!p1 $0x7, s25;
	s22 =	simm.s32 @!p2 $0x50;
	[sflag:s0] =	ssyncset.done @!p2 $0x0  }
0x71: {  	s23 =	sshll.u32 @!p1 s26, $0x7;
	s25 =	sadd.s32 @!p1 $0x5, s26;
	[sflag:s0] =	ssyncadd.s32 @!p2 $0xFFFFFFB0  }
0x72: {  	[tilespmem:s3], [sflag:s19] =	stream.indirect.gather @!p2 [hbm4b:s1+s22], $0x80, s18, s22, $0xb8;
	[tilespmem:$0x1E880] =	vst v63  }
0x73: {  	s18 =	simm.s32 @!p1 $0x0;
	s19 =	sor.u32 @!p1 $0x400, s23;
	s22 =	sadd.s32 @!p1 $0xD, s26  }
0x74: {  	[tilespmem:s23], [sflag:s25] =	stream.linear.gather @!p1 [hbm4b:s21+s18], $0x50, $0x38;
	[tilespmem:$0x1E880] =	vst v63  }
0x75: {  	_ = 	snop  }
0x76: {  	[tilespmem:s19], [sflag:s22] =	stream.linear.gather @!p1 [hbm4b:s20+s18], $0x50, $0x38;
	[tilespmem:$0x1E880] =	vst v63  }
0x77: {  	_ =	swait.ge [sflag:s6], $0x2800  }
0x78: {  	[sflag:s6] =	ssyncset.done $0x0  }
0x79: {  	[sflag:s6] =	ssyncadd.s32 $0xFFFFD800  }
0x7a: {  	_ =	swait.ge [sflag:s7], $0x2800  }
0x7b: {  	[sflag:s7] =	ssyncset.done $0x0  }
0x7c: {  	[sflag:s7] =	ssyncadd.s32 $0xFFFFD800  }
0x7d: {  	_ =	swait.ge [sflag:s8], $0x2800  }
0x7e: {  	[sflag:s8] =	ssyncset.done $0x0  }
0x7f: {  	[sflag:s8] =	ssyncadd.s32 $0xFFFFD800  }
0x80: {  	_ =	swait.ge [sflag:s9], $0x2800  }
0x81: {  	[sflag:s9] =	ssyncset.done $0x0  }
0x82: {  	[sflag:s9] =	ssyncadd.s32 $0xFFFFD800  }
0x83: {  	[bflag:$0x0] =	sbarrier.arrive $0xFFFF  }
0x84: {  	s0 =	rddreg [dreg:$0xe]  }
0x85: {  	[hbm:s0], [sflag:s15] =	dma.local [spmem:s11], $0x2780  }
0x86: {  	_ =	swait.ge [sflag:s30], $0x2780  }
0x87: {  	s10 =	sadd.s32 $0x1, s10;
	s28 =	rddreg [dreg:$0xf]  }
0x88: {  	p0 =	sne.s32 s10, s28  }
.Ltmp1:
0x89: {  	_ = 	snop;
	(pc) =	sbr.rel @p0 .LBB2_1-.Ltmp1, $3  }
0x8a: {  	_ =	sdelay $0x1  }
0x8b: {  	[sflag:s30] =	ssyncset.done $0x0  }
0x8c: {  	[sflag:s30] =	ssyncadd.s32 $0xFFFFD880  }
0x8d: {  	_ =	sfence.sel $0x180000  }
0x8e: {  	[bflag:$0x0] =	sbarrier.arrive $0xFFFF  }
0x8f: {  	_ =	strace $0x90000047  }
0x90: {  	s0 =	stileid.u32;
	[bflag:$0x2] =	sbarrier.arrive $0xFFFF  }
0x91: {  	p0 =	sne.s32 s0, $0x0;
	s0 =	rddreg [dreg:$0x3]  }
0x92: {  	s0 =	sadd.s32 @!p0 $0x100000, s0  }
0x93: {  	[sflag:s0] =	ssyncadd.tile.s32 @!p0 $0x1;
	_ =	shalt  }
.Lfunc_end2:
_tile_overlayer_lowered:
.L_overlay_start_2:
0x94: {  	(tag) =	ssettag $0x2  }
0x95: {  	s0 =	rddreg [dreg:$0x0];
	s2 =	stileid.u32  }
0x96: {  	s1 =	rddreg [dreg:$0x1];
	p0 =	sne.s32 s2, $0x0  }
0x97: {  	s3 =	rddreg [dreg:$0x2];
	[bflag:$0x3] =	sbarrier.arrive $0xFFFF;
	s2 =	simm.s32 @!p0 $0x1C19  }
0x98: {  	[timem:s3], [sflag:s2] =	dma.local @!p0 [hbm:s0], s1  }
0x99: {  	s0 =	simm.s32 @!p0 $0x19  }
0x9a: {  	_ =	swait.ge @!p0 [sflag:s0], s1  }
0x9b: {  	s1 =	ssub.s32 @!p0 $0x0, s1;
	[sflag:s0] =	ssyncset.done @!p0 $0x0  }
0x9c: {  	[sflag:s0] =	ssyncadd.s32 @!p0 s1  }
0x9d: {  	[bflag:$0x3] =	sbarrier.arrive $0xFFFF  }
0x9e: {  	_ =	shalt  }

// kernel: kernel.9.cloned.1.call-start
scs
__scs_entry_jumppad:
0x0: {  	(pc) =	sbr.rel $0x88, $3  }
0x1: {  	(tag) =	ssettag $0x0;
	lr =	simm.s32 $0x1  }
0x2: {  	[smem:$0x3F94] =	sst lr;
	_ =	strace $0xD0000000  }
0x3: {  	_ = 	snop  }
0x4: {  	_ = 	snop  }
0x5: {  	_ = 	snop  }
0x6: {  	_ = 	snop  }
0x7: {  	_ = 	snop  }
__scs_overlays_trampoline_lowered:
0x8: {  	[smem:$0x3FA3] =	sst s0  }
0x9: {  	[smem:$0x3FA4] =	sst s1  }
0xa: {  	[smem:$0x3FA5] =	sst s2  }
0xb: {  	[smem:$0x3FA6] =	sst s3  }
0xc: {  	[smem:$0x3FA7] =	sst s4  }
0xd: {  	[smem:$0x3FA8] =	sst s5  }
0xe: {  	[smem:$0x3FA9] =	sst s6  }
0xf: {  	[smem:$0x3FAA] =	sst s7  }
0x10: {  	[smem:$0x3FAB] =	sst s8  }
0x11: {  	[smem:$0x3FAC] =	sst s9;
	s0 =	simm.s32 @!p0 $0x0  }
0x12: {  	s1 =	sld [smem:$0x3F92];
	s0 =	simm.s32 @p0 $0x1  }
0x13: {  	[smem:$0x3FAD] =	sst s0;
	s0 =	simm.s32 @!p1 $0x0  }
0x14: {  	s2 =	sld [smem:$0x3F91];
	s0 =	simm.s32 @p1 $0x1  }
0x15: {  	[smem:$0x3FAE] =	sst s0;
	s0 =	simm.s32 @!p2 $0x0  }
0x16: {  	s3 =	sld [smem:$0x3FDB];
	s0 =	simm.s32 @p2 $0x1  }
0x17: {  	s4 =	simm.s32 $0x1BF5;
	[smem:$0x3FB0] =	sst s0  }
0x18: {  	s0 =	sld [smem:$0x3F93];
	_ =	swait.ge [sflag:s4], $0x0  }
0x19: {  	s7 =	sld [smem:$0x3F94]  }
0x1a: {  	s8 =	sadd.s32 $0xFFFFE003, lr  }
0x1b: {  	s9 =	sadd.s32 $0xFFFFFEF7, lr;
	s5 =	simm.s32 $0xFFFFFFFF;
	p2 =	slt.u32 s8, $0xFFFFF086  }
0x1c: {  	p1 =	slt.u32 s9, $0xF7A;
	s5 =	simm.s32 @!p2 $0x0  }
0x1d: {  	s5 =	simm.s32 @p1 $0x1;
	p0 =	seq.s32 s7, s2  }
0x1e: {  	s7 =	smul.u32 @!p0 $0xF7A, s2;
	p2 =	seq.s32 @!p0 s5, $0x0  }
0x1f: {  	s9 =	smul.u32 $0xF7A, s1;
	s8 =	simm.s32 @!p0 $0x1BF5;
	p2 =	por !p2, p0  }
0x20: {  	[sflag:s8] =	ssyncset.s32 @!p0 $0xFFFFF086;
	s6 =	sadd.s32 @!p0 s3, s7;
	s7 =	simm.s32 @!p0 $0x108  }
0x21: {  	s3 =	sadd.s32 s3, s9;
	s6 =	sadd.s32 @!p0 $0x88, s6;
	s7 =	simm.s32 @p2 $0x1082  }
0x22: {  	[simem:s7], [sflag:s8] =	dma.local @!p0 [hbm:s6], $0xF7A  }
0x23: {  	s9 =	sor.u32 $0xD0000000, s2;
	s6 =	simm.s32 $0x108;
	_ =	swait.ge @!p0 [sflag:s8], $0x0  }
0x24: {  	s3 =	sadd.s32 $0x88, s3;
	s6 =	simm.s32 @!p1 $0x1082;
	[sflag:s4] =	ssyncset.s32 $0xFFFFF086  }
0x25: {  	[simem:s6], [sflag:s4] =	dma.local [hbm:s3], $0xF7A  }
0x26: {  	[smem:$0x3F94] =	sst s1;
	(tag) =	ssettag s2;
	_ =	strace s9  }
0x27: {  	s1 =	sld [smem:$0x3FA4]  }
0x28: {  	s2 =	sld [smem:$0x3FA5]  }
0x29: {  	s4 =	sld [smem:$0x3FA7]  }
0x2a: {  	p0 =	seq.s32 s5, $0x0;
	s5 =	sld [smem:$0x3FA8]  }
0x2b: {  	s6 =	sld [smem:$0x3FA9]  }
0x2c: {  	s7 =	sld [smem:$0x3FAA]  }
0x2d: {  	s3 =	simm.s32 $0x108;
	s8 =	sld [smem:$0x3FAB]  }
0x2e: {  	s3 =	simm.s32 @!p0 $0x1082;
	s9 =	sld [smem:$0x3FAC]  }
0x2f: {  	lr =	sadd.s32 s0, s3;
	s0 =	sld [smem:$0x3FA3]  }
0x30: {  	s3 =	sld [smem:$0x3FA6]  }
0x31: {  	[smem:$0x3FAF] =	sst s10  }
0x32: {  	s10 =	sld [smem:$0x3FAD];
	_ =	sdelay $0x3  }
0x33: {  	p0 =	seq.s32 s10, $0x1;
	s10 =	sld [smem:$0x3FAF];
	_ =	sdelay $0x3  }
0x34: {  	[smem:$0x3FAF] =	sst s10  }
0x35: {  	s10 =	sld [smem:$0x3FAE];
	_ =	sdelay $0x3  }
0x36: {  	p1 =	seq.s32 s10, $0x1;
	s10 =	sld [smem:$0x3FAF];
	_ =	sdelay $0x3  }
0x37: {  	[smem:$0x3FAF] =	sst s10  }
0x38: {  	s10 =	sld [smem:$0x3FB0]  }
0x39: {  	_ = 	snop;
	(pc) =	sbr.ind lr, $3  }
0x3a: {  	_ = 	snop  }
0x3b: {  	_ = 	snop  }
0x3c: {  	p2 =	seq.s32 s10, $0x1;
	s10 =	sld [smem:$0x3FAF]  }
0x3d: {  	_ =	shalt  }
0x3e: {  	_ =	shalt  }
0x3f: {  	_ =	shalt  }
0x40: {  	_ =	shalt  }
0x41: {  	_ =	shalt  }
0x42: {  	_ =	shalt  }
0x43: {  	_ =	shalt  }
0x44: {  	_ =	shalt  }
0x45: {  	_ =	shalt  }
0x46: {  	_ =	shalt  }
0x47: {  	_ =	shalt  }
0x48: {  	_ =	shalt  }
0x49: {  	_ =	shalt  }
0x4a: {  	_ =	shalt  }
0x4b: {  	_ =	shalt  }
0x4c: {  	_ =	shalt  }
0x4d: {  	_ =	shalt  }
0x4e: {  	_ =	shalt  }
0x4f: {  	_ =	shalt  }
0x50: {  	_ =	shalt  }
0x51: {  	_ =	shalt  }
0x52: {  	_ =	shalt  }
0x53: {  	_ =	shalt  }
0x54: {  	_ =	shalt  }
0x55: {  	_ =	shalt  }
0x56: {  	_ =	shalt  }
0x57: {  	_ =	shalt  }
0x58: {  	_ =	shalt  }
0x59: {  	_ =	shalt  }
0x5a: {  	_ =	shalt  }
0x5b: {  	_ =	shalt  }
0x5c: {  	_ =	shalt  }
0x5d: {  	_ =	shalt  }
0x5e: {  	_ =	shalt  }
0x5f: {  	_ =	shalt  }
0x60: {  	_ =	shalt  }
0x61: {  	_ =	shalt  }
0x62: {  	_ =	shalt  }
0x63: {  	_ =	shalt  }
0x64: {  	_ =	shalt  }
0x65: {  	_ =	shalt  }
0x66: {  	_ =	shalt  }
0x67: {  	_ =	shalt  }
0x68: {  	_ =	shalt  }
0x69: {  	_ =	shalt  }
0x6a: {  	_ =	shalt  }
0x6b: {  	_ =	shalt  }
0x6c: {  	_ =	shalt  }
0x6d: {  	_ =	shalt  }
0x6e: {  	_ =	shalt  }
0x6f: {  	_ =	shalt  }
0x70: {  	_ =	shalt  }
0x71: {  	_ =	shalt  }
0x72: {  	_ =	shalt  }
0x73: {  	_ =	shalt  }
0x74: {  	_ =	shalt  }
0x75: {  	_ =	shalt  }
0x76: {  	_ =	shalt  }
0x77: {  	_ =	shalt  }
0x78: {  	_ =	shalt  }
0x79: {  	_ =	shalt  }
0x7a: {  	_ =	shalt  }
0x7b: {  	_ =	shalt  }
0x7c: {  	_ =	shalt  }
0x7d: {  	_ =	shalt  }
0x7e: {  	_ =	shalt  }
0x7f: {  	_ =	shalt  }
0x80: {  	_ =	shalt  }
0x81: {  	_ =	shalt  }
0x82: {  	_ =	shalt  }
0x83: {  	_ =	shalt  }
0x84: {  	_ =	shalt  }
0x85: {  	_ =	shalt  }
0x86: {  	_ =	shalt  }
0x87: {  	_ =	shalt  }
.Lfunc_end0:
.L_simem_size_0:
called_computation.1_lowered:
.L_overlay_start_0:
0x88: {  	s2 =	sld [smem:$0x3FD9]  }
0x89: {  	s3 =	sld [smem:$0x3FFE];
	_ =	sdelay $0x1  }
0x8a: {  	s1 =	srdreg.scid  }
0x8b: {  	s0 =	sand.u32 $0x1, s1  }
0x8c: {  	s16 =	sshll.u32 s0, $0xA;
	s2 =	sadd.s32 s3, s2  }
0x8d: {  	s2 =	sadd.s32 s2, s16  }
0x8e: {  	[smem:$0x3FBB] =	sst s2  }
0x8f: {  	_ = 	snop  }
0x90: {  	(tm) =	ssettm $0x1  }
0x91: {  	s17 =	sld [smem:$0x3FFB];
	_ =	sdelay $0x3  }
0x92: {  	_ =	strace s17  }
0x93: {  	s2 =	sld [smem:$0x3FFC];
	_ =	sdelay $0x3  }
0x94: {  	_ =	strace s2  }
0x95: {  	s2 =	sld [smem:$0x3FFD];
	_ =	sdelay $0x3  }
0x96: {  	_ =	strace s2  }
0x97: {  	_ =	strace $0x8FFFFFFF  }
0x98: {  	s18 =	sld [smem:$0x3FDB];
	_ =	sdelay $0x1  }
0x99: {  	s19 =	simm.s32 $_scs_section_size  }
0x9a: {  	s4 =	simm.s32 $_size__tile_overlayer_lowered;
	s5 =	simm.s32 $_tile_overlayer_lowered  }
0x9b: {  	s22 =	simm.s32 $0x1BFF;
	s21 =	sshll.u32 s5, $0x1;
	s2 =	sadd.s32 s19, s18  }
0x9c: {  	s6 =	simm.s32 $0x0;
	s20 =	sshll.u32 s4, $0x1;
	s4 =	sadd.s32 s21, s2  }
0x9d: {  	[timem:s6], [sflag:s22] =	dma.local [hbm:s4], s20  }
0x9e: {  	_ =	swait.ge [sflag:s22], s20  }
0x9f: {  	s3 =	ssub.s32 $0x0, s20;
	[sflag:s22] =	ssyncset.done $0x0  }
0xa0: {  	[sflag:s22] =	ssyncadd.s32 s3;
	_ =	sdelay $0x1  }
0xa1: {  	s23 =	simm.s32 $0x1B8B  }
0xa2: {  	_ =	swait.ge [sflag:s23], $0x1  }
0xa3: {  	[sflag:s23] =	ssyncset.done $0x0  }
0xa4: {  	s25 =	simm.s32 $0x1B8E;
	s24 =	sld [smem:$0x3FFE];
	[sflag:s23] =	ssyncadd.s32 $0xFFFFFFFF  }
0xa5: {  	s26 =	simm.s32 $execute0_lowered;
	[smem:$0x3FD2] =	sst s25  }
0xa6: {  	s4 =	sshll.u32 s26, $0x1;
	_ =	strace $0x80000049;
	[dreg:$0x1] =	wrdreg $0xFFFFFFFF  }
0xa7: {  	s28 =	simm.s32 $_size_execute0_lowered;
	s2 =	sadd.s32 s2, s4;
	[dreg:$0x0] =	wrdreg $0x0  }
0xa8: {  	s4 =	sshll.u32 s28, $0x1;
	[dreg:$0x2] =	wrdreg s2  }
0xa9: {  	[dreg:$0x3] =	wrdreg s4  }
0xaa: {  	[dreg:$0x4] =	wrdreg $0xC0  }
0xab: {  	_ =	task [dreg:s6], $0x5FFFF  }
0xac: {  	[dreg:$0x1] =	wrdreg $0xFFFFFFFF  }
0xad: {  	[dreg:$0x0] =	wrdreg $0x60  }
0xae: {  	[dreg:$0x2] =	wrdreg s24  }
0xaf: {  	[dreg:$0x3] =	wrdreg $0xA8000  }
0xb0: {  	[dreg:$0x4] =	wrdreg $0x9  }
0xb1: {  	_ =	task.clear_ibuf [dreg:s6], $0x5FFFF;
	_ =	strace $0x90000049  }
0xb2: {  	s29 =	simm.s32 $0x9;
	_ =	strace $0x8000004B  }
0xb3: {  	_ =	swait.ge [sflag:s29], $0x1  }
0xb4: {  	[sflag:s29] =	ssyncadd.s32 $0xFFFFFFFF  }
0xb5: {  	_ =	strace $0x9000004B  }
0xb6: {  	_ =	sfence  }
0xb7: {  	s30 =	sld [smem:$0x0];
	_ =	sdelay $0x2  }
0xb8: {  	s31 =	sshll.u32 s1, $0xD;
	s1 =	sshrl.u32 s1, $0x2  }
0xb9: {  	s3 =	sand.u32 $0x4000, s31;
	s1 =	sadd.s32 s1, s30  }
0xba: {  	s0 =	sor.u32 s3, s0;
	s1 =	sshll.u32 s1, $0x11  }
0xbb: {  	s0 =	sor.u32 s1, s0  }
0xbc: {  	s0 =	sadd.s32 $0x8F2B, s0  }
0xbd: {  	[sflag:s0] =	ssyncadd.remote.s32 $0x1  }
0xbe: {  	_ =	sfence.sel $0xFFFF  }
0xbf: {  	[dreg:$0x0] =	wrdreg $0xFFFFFFFF;
	(pc) =	sbr.abs _section_cstart, $3  }
0xc0: {  	[dreg:$0x1] =	wrdreg $0xFFFFFFFF  }
0xc1: {  	_ =	task.clear_ibuf [dreg:s6], $0x2FFFF;
	_ =	strace $0x9FFFFFFF  }
0xc2: {  	(tm) =	ssettm $0x7FFFFFFF  }
0xc3: {  	_ =	shalt  }
tec
execute0_lowered:
.L_overlay_start_1:
0x0: {  	(tag) =	ssettag $0x1  }
0x1: {  	s0 =	rddreg [dreg:$0x0]  }
0x2: {  	s1 =	rddreg [dreg:$0x1];
	s3 =	simm.s32 $0x0  }
0x3: {  	s13 =	stileid.u32;
	s6 =	srdreg.scid;
	s30 =	simm.s32 $0x19  }
0x4: {  	s31 =	simm.s32 $0x50;
	s29 =	simm.s32 $0xD;
	[smem:$0x7FF] =	sst s3  }
0x5: {  	s4 =	sadd.s32 $0x3D200, s0;
	s2 =	sadd.s32 $0xC200, s0;
	s5 =	smul.u32 $0x278, s13  }
0x6: {  	s7 =	sadd.s32 $0x2400, s0;
	s6 =	sand.u32 $0x1, s6;
	s20 =	smul.u32 $0x4E20, s13  }
0x7: {  	s8 =	sshll.u32 s13, $0x1;
	s23 =	sshll.u32 s13, $0x6;
	s9 =	smul.u32 $0x138800, s6  }
0x8: {  	s8 =	sor.u32 s6, s8;
	s11 =	ssub.s32 $0x2, s6;
	s6 =	smul.u32 $0x2710, s6  }
0x9: {  	_ =	strace $0x8000004A;
	s5 =	smin.u32 s5, $0x2498;
	s8 =	smul.u32 $0x2710, s8  }
0xa: {  	s12 =	sshrl.u32 s11, $0x1;
	s10 =	sshll.u32 s5, $0x4;
	s5 =	sshll.u32 s5, $0x7  }
0xb: {  	s28 =	ssub.s32 s11, s12;
	s24 =	sadd.s32 s6, s20;
	s6 =	simm.s32 $0x16  }
0xc: {  	s10 =	sadd.s32 s10, s0;
	s9 =	sadd.s32 s9, s5;
	s5 =	sadd.s32 s5, s1  }
0xd: {  	s8 =	sshrl.u32 s8, $0x3;
	s25 =	smax.u32 s28, $0x1;
	[dreg:$0xb] =	wrdreg s5  }
0xe: {  	s9 =	sshrl.u32 s9, $0x3;
	s12 =	sadd.s32 s2, s8;
	[dreg:$0xe] =	wrdreg s25  }
0xf: {  	s14 =	sadd.s32 s7, s8;
	s15 =	sadd.s32 $0xA, s8;
	[dreg:$0x3] =	wrdreg s12  }
0x10: {  	s16 =	sadd.s32 $0x14, s8;
	s22 =	sadd.s32 $0x16000, s10;
	[dreg:$0x4] =	wrdreg s14  }
0x11: {  	s19 =	sadd.s32 $0x1E, s8;
	s14 =	sadd.s32 s2, s15;
	[dreg:$0xc] =	wrdreg s22  }
0x12: {  	s26 =	sadd.s32 $0x28, s8;
	s11 =	sadd.s32 s7, s15;
	[dreg:$0x5] =	wrdreg s14  }
0x13: {  	s8 =	simm.s32 $0x18;
	s17 =	sadd.s32 s2, s16;
	[dreg:$0x6] =	wrdreg s11  }
0x14: {  	s10 =	simm.s32 $0x0;
	s18 =	sadd.s32 s7, s16;
	[dreg:$0x7] =	wrdreg s17  }
0x15: {  	s0 =	sadd.s32 s9, s0;
	s21 =	sadd.s32 s2, s19;
	[dreg:$0x8] =	wrdreg s18  }
0x16: {  	s15 =	sor.u32 $0x1C19, s23;
	s28 =	sadd.s32 s2, s26;
	[dreg:$0x9] =	wrdreg s21  }
0x17: {  	s5 =	sadd.s32 s7, s26;
	s9 =	simm.s32 $0x15;
	[dreg:$0xf] =	wrdreg s28  }
0x18: {  	s11 =	sadd.s32 s7, s19;
	s0 =	sadd.s32 $0x64400, s0;
	[dreg:$0x10] =	wrdreg s5  }
0x19: {  	s5 =	simm.s32 $0x8;
	[dreg:$0xd] =	wrdreg s0;
	s0 =	sadd.s32 $0x190, s24  }
0x1a: {  	[dreg:$0xa] =	wrdreg s11;
	s24 =	simm.s32 $0x1;
	s0 =	sshrl.u32 s0, $0x3  }
0x1b: {  	s16 =	sadd.s32 s0, s7;
	s17 =	sadd.s32 s0, s2;
	s7 =	simm.s32 $0x17  }
.LBB2_1:
0x1c: {  	s0 =	rddreg [dreg:$0x3]  }
0x1d: {  	s21 =	rddreg [dreg:$0x4]  }
0x1e: {  	s22 =	rddreg [dreg:$0x5]  }
0x1f: {  	[tilespmem:s3], [sflag:$0x5] =	stream.linear.gather [hbm4b:s0+s3], $0x50, $0x38;
	[tilespmem:$0x1E880] =	vst v63  }
0x20: {  	s2 =	simm.s32 $0x400;
	s23 =	rddreg [dreg:$0x6]  }
0x21: {  	[tilespmem:s2], [sflag:$0xD] =	stream.linear.gather [hbm4b:s21+s3], $0x50, $0x38;
	[tilespmem:$0x1E880] =	vst v63  }
0x22: {  	s12 =	simm.s32 $0x80;
	s25 =	rddreg [dreg:$0x7]  }
0x23: {  	[tilespmem:s12], [sflag:$0x6] =	stream.linear.gather [hbm4b:s22+s3], $0x50, $0x38;
	[tilespmem:$0x1E880] =	vst v63  }
0x24: {  	s11 =	simm.s32 $0x480;
	s26 =	rddreg [dreg:$0x8]  }
0x25: {  	[tilespmem:s11], [sflag:$0xE] =	stream.linear.gather [hbm4b:s23+s3], $0x50, $0x38;
	[tilespmem:$0x1E880] =	vst v63  }
0x26: {  	s13 =	simm.s32 $0x100;
	s14 =	rddreg [dreg:$0x9]  }
0x27: {  	[tilespmem:s13], [sflag:$0x7] =	stream.linear.gather [hbm4b:s25+s3], $0x50, $0x38;
	[tilespmem:$0x1E880] =	vst v63  }
0x28: {  	s28 =	simm.s32 $0x500;
	s19 =	rddreg [dreg:$0xa]  }
0x29: {  	[tilespmem:s28], [sflag:$0xF] =	stream.linear.gather [hbm4b:s26+s3], $0x50, $0x38;
	[tilespmem:$0x1E880] =	vst v63  }
0x2a: {  	s18 =	simm.s32 $0x180;
	s21 =	rddreg [dreg:$0xb]  }
0x2b: {  	[tilespmem:s18], [sflag:$0x8] =	stream.linear.gather [hbm4b:s14+s3], $0x50, $0x38;
	[tilespmem:$0x1E880] =	vst v63  }
0x2c: {  	s20 =	simm.s32 $0x580;
	s22 =	rddreg [dreg:$0xc];
	s11 =	sshrl.u32 s21, $0x3  }
0x2d: {  	[tilespmem:s20], [sflag:$0x10] =	stream.linear.gather [hbm4b:s19+s3], $0x50, $0x38;
	[tilespmem:$0x1E880] =	vst v63  }
0x2e: {  	[spmem:s11], [sflag:s15] =	dma.local [hbm:s22], $0x2780  }
0x2f: {  	_ =	swait.ge [sflag:s30], $0x2780  }
0x30: {  	[sflag:s30] =	ssyncset.done $0x0  }
0x31: {  	[sflag:s30] =	ssyncadd.s32 $0xFFFFD880  }
0x32: {  	s14 =	simm.s32 $0x5;
	[bflag:$0x0] =	sbarrier.arrive $0xFFFF  }
0x33: {  	_ =	swait.ge [sflag:s14], $0x50  }
0x34: {  	[sflag:s14] =	ssyncset.done $0x0  }
0x35: {  	s23 =	simm.s32 $0x800;
	s19 =	simm.s32 $0x6;
	[sflag:s14] =	ssyncadd.s32 $0xFFFFFFB0  }
0x36: {  	[tilespmem:s23], [sflag:$0x1] =	stream.indirect.gather [hbm4b:s4+s31], $0x80, s3, s31, $0xb8;
	[tilespmem:$0x1E880] =	vst v63  }
0x37: {  	_ =	swait.ge [sflag:s19], $0x50  }
0x38: {  	[sflag:s19] =	ssyncset.done $0x0  }
0x39: {  	s25 =	simm.s32 $0x3000;
	s26 =	simm.s32 $0x7;
	[sflag:s19] =	ssyncadd.s32 $0xFFFFFFB0  }
0x3a: {  	[tilespmem:s25], [sflag:$0x2] =	stream.indirect.gather [hbm4b:s4+s31], $0x80, s12, s31, $0xb8;
	[tilespmem:$0x1E880] =	vst v63  }
0x3b: {  	_ =	swait.ge [sflag:s26], $0x50  }
0x3c: {  	[sflag:s26] =	ssyncset.done $0x0  }
0x3d: {  	s28 =	simm.s32 $0x5800;
	[sflag:s26] =	ssyncadd.s32 $0xFFFFFFB0  }
0x3e: {  	[tilespmem:s28], [sflag:$0x3] =	stream.indirect.gather [hbm4b:s4+s31], $0x80, s13, s31, $0xb8;
	[tilespmem:$0x1E880] =	vst v63  }
0x3f: {  	_ =	swait.ge [sflag:s24], $0x2800  }
0x40: {  	[sflag:s24] =	ssyncset.done $0x0  }
0x41: {  	[sflag:s24] =	ssyncadd.s32 $0xFFFFD800  }
0x42: {  	_ =	swait.ge [sflag:s29], $0x50  }
0x43: {  	[sflag:s29] =	ssyncset.done $0x0  }
0x44: {  	[sflag:s29] =	ssyncadd.s32 $0xFFFFFFB0  }
0x45: {  	[spmem:s1] =	stream.indirect.scatter.add.f32 [tilespmem:s23], [sflag:$0x15], $0x80, s2, s31, $0xb8;
	[tilespmem:$0x1E880] =	vst v63  }
0x46: {  	p0 =	por $0x0, $0x0;
	_ =	swait.ge [sflag:s5], $0x50  }
0x47: {  	p1 =	por @!p0 $0x0, $0x0;
	s20 =	simm.s32 $0x200;
	[sflag:s5] =	ssyncset.done $0x0  }
0x48: {  	s13 =	simm.s32 $0x8000;
	s23 =	simm.s32 $0x1;
	[sflag:s5] =	ssyncadd.s32 $0xFFFFFFB0  }
0x49: {  	[tilespmem:s13], [sflag:$0x4] =	stream.indirect.gather [hbm4b:s4+s31], $0x80, s18, s31, $0xb8;
	[tilespmem:$0x1E880] =	vst v63  }
0x4a: {  	s22 =	simm.s32 $0x600;
	s25 =	sand.u32 $0x3, s23;
	s19 =	rddreg [dreg:$0xf]  }
0x4b: {  	[tilespmem:s20], [sflag:$0x9] =	stream.linear.gather [hbm4b:s19+s3], $0x50, $0x38;
	[tilespmem:$0x1E880] =	vst v63  }
0x4c: {  	s21 =	rddreg [dreg:$0x10];
	s26 =	smul.u32 $0xA000, s25;
	s28 =	sadd.s32 $0x1, s25  }
0x4d: {  	[tilespmem:s22], [sflag:$0x11] =	stream.linear.gather [hbm4b:s21+s3], $0x50, $0x38;
	[tilespmem:$0x1E880] =	vst v63  }
0x4e: {  	p1 =	por p1, p0;
	s12 =	sand.u32 $0x7, s23;
	_ =	swait.ge [sflag:s28], $0x2800  }
0x4f: {  	s18 =	sshrl.u32 s26, $0x2;
	s13 =	sadd.s32 $0x15, s25;
	[sflag:s28] =	ssyncset.done $0x0  }
0x50: {  	s18 =	sadd.s32 $0x800, s18;
	s20 =	sadd.s32 $0xD, s12;
	[sflag:s28] =	ssyncadd.s32 $0xFFFFD800  }
0x51: {  	s12 =	sshll.u32 s12, $0x7;
	s19 =	simm.s32 @!p0 $0x4;
	_ =	swait.ge [sflag:s20], $0x50  }
0x52: {  	s12 =	sor.u32 $0x400, s12;
	s21 =	sand.u32 @!p0 $0x3, s19;
	[sflag:s20] =	ssyncset.done $0x0  }
0x53: {  	s22 =	smul.u32 @!p0 $0xA000, s21;
	[sflag:s20] =	ssyncadd.s32 $0xFFFFFFB0;
	s20 =	sadd.s32 @!p0 $0x15, s21  }
0x54: {  	[spmem:s1] =	stream.indirect.scatter.add.f32 [tilespmem:s18], [sflag:s13], $0x80, s12, s31, $0xb8;
	[tilespmem:$0x1E880] =	vst v63  }
0x55: {  	s28 =	sand.u32 @!p1 $0x7, s14;
	s14 =	sadd.s32 $0xA, s17;
	_ =	swait.ge @!p0 [sflag:s20], $0x2800  }
0x56: {  	s23 =	sshll.u32 @!p1 s28, $0x7;
	s18 =	sand.u32 @!p0 $0x7, s19;
	[sflag:s20] =	ssyncset.done @!p0 $0x0  }
0x57: {  	s19 =	sshrl.u32 @!p0 s22, $0x2;
	s22 =	sadd.s32 @!p0 $0x5, s18;
	[sflag:s20] =	ssyncadd.s32 @!p0 $0xFFFFD800  }
0x58: {  	s25 =	sadd.s32 @!p1 $0x5, s28;
	s12 =	simm.s32 $0x6;
	_ =	swait.ge @!p0 [sflag:s22], $0x50  }
0x59: {  	s19 =	sadd.s32 @!p0 $0x800, s19;
	s18 =	sshll.u32 @!p0 s18, $0x7;
	[sflag:s22] =	ssyncset.done @!p0 $0x0  }
0x5a: {  	s20 =	sadd.s32 @!p0 $0x1, s21;
	s21 =	simm.s32 @!p0 $0x50;
	[sflag:s22] =	ssyncadd.s32 @!p0 $0xFFFFFFB0  }
0x5b: {  	[tilespmem:s19], [sflag:s20] =	stream.indirect.gather @!p0 [hbm4b:s4+s21], $0x80, s18, s21, $0xb8;
	[tilespmem:$0x1E880] =	vst v63  }
0x5c: {  	s13 =	sadd.s32 $0xA, s16;
	s22 =	sadd.s32 @!p1 $0xD, s28;
	s18 =	simm.s32 @!p1 $0x0  }
0x5d: {  	s19 =	sor.u32 @!p1 $0x400, s23;
	s21 =	smov.u32 s17;
	s20 =	smov.u32 s16  }
.LBB2_2:
0x5e: {  	[tilespmem:s23], [sflag:s25] =	stream.linear.gather @!p1 [hbm4b:s21+s18], $0x50, $0x38;
	[tilespmem:$0x1E880] =	vst v63  }
0x5f: {  	s23 =	sadd.s32 $0xFFFFFFFC, s12;
	s25 =	smov.u32 s12;
	s12 =	sadd.s32 $0x1, s12  }
0x60: {  	s28 =	sand.u32 $0x7, s23;
	s0 =	sand.u32 $0x3, s23;
	p0 =	sne.s32 s12, $0x81  }
0x61: {  	s21 =	smov.u32 s14;
	s2 =	smul.u32 $0xA000, s0;
	s26 =	sadd.s32 $0x1, s0  }
0x62: {  	[tilespmem:s19], [sflag:s22] =	stream.linear.gather @!p1 [hbm4b:s20+s18], $0x50, $0x38;
	[tilespmem:$0x1E880] =	vst v63  }
0x63: {  	s2 =	sshrl.u32 s2, $0x2;
	s20 =	smov.u32 s13;
	_ =	swait.ge [sflag:s26], $0x2800  }
0x64: {  	s18 =	sadd.s32 $0xD, s28;
	s19 =	sshll.u32 s28, $0x7;
	[sflag:s26] =	ssyncset.done $0x0  }
0x65: {  	p2 =	sgt.u32 s23, $0x79;
	s0 =	sadd.s32 $0x15, s0;
	[sflag:s26] =	ssyncadd.s32 $0xFFFFD800  }
0x66: {  	s22 =	sadd.s32 @!p2 $0xFFFFFFFF, s25;
	s19 =	sor.u32 $0x400, s19;
	_ =	swait.ge [sflag:s18], $0x50  }
0x67: {  	s2 =	sadd.s32 $0x800, s2;
	s23 =	sand.u32 @!p2 $0x3, s22;
	[sflag:s18] =	ssyncset.done $0x0  }
0x68: {  	s26 =	smul.u32 @!p2 $0xA000, s23;
	[sflag:s18] =	ssyncadd.s32 $0xFFFFFFB0;
	s18 =	sadd.s32 @!p2 $0x15, s23  }
0x69: {  	s14 =	sadd.s32 $0xA, s14;
	s13 =	sadd.s32 $0xA, s13;
	s22 =	sand.u32 @!p2 $0x7, s22  }
0x6a: {  	[spmem:s1] =	stream.indirect.scatter.add.f32 [tilespmem:s2], [sflag:s0], $0x80, s19, s31, $0xb8;
	[tilespmem:$0x1E880] =	vst v63  }
0x6b: {  	s0 =	sadd.s32 @!p2 $0x5, s22;
	s2 =	sshrl.u32 @!p2 s26, $0x2;
	_ =	swait.ge @!p2 [sflag:s18], $0x2800  }
0x6c: {  	s19 =	sadd.s32 @!p2 $0x1, s23;
	s2 =	sadd.s32 @!p2 $0x800, s2;
	[sflag:s18] =	ssyncset.done @!p2 $0x0  }
0x6d: {  	p1 =	seq.s32 @!p2 s25, $0x7D;
	[sflag:s18] =	ssyncadd.s32 @!p2 $0xFFFFD800;
	s18 =	sshll.u32 @!p2 s22, $0x7  }
.Ltmp0:
0x6e: {  	p1 =	por p1, p2;
	_ =	swait.ge @!p2 [sflag:s0], $0x50;
	(pc) =	sbr.rel @p0 .LBB2_2-.Ltmp0, $4  }
0x6f: {  	s26 =	sand.u32 @!p1 $0x7, s25;
	s22 =	simm.s32 @!p2 $0x50;
	[sflag:s0] =	ssyncset.done @!p2 $0x0  }
0x70: {  	s23 =	sshll.u32 @!p1 s26, $0x7;
	s25 =	sadd.s32 @!p1 $0x5, s26;
	[sflag:s0] =	ssyncadd.s32 @!p2 $0xFFFFFFB0  }
0x71: {  	[tilespmem:s2], [sflag:s19] =	stream.indirect.gather @!p2 [hbm4b:s4+s22], $0x80, s18, s22, $0xb8;
	[tilespmem:$0x1E880] =	vst v63  }
0x72: {  	s18 =	simm.s32 @!p1 $0x0;
	s19 =	sor.u32 @!p1 $0x400, s23;
	s22 =	sadd.s32 @!p1 $0xD, s26  }
0x73: {  	[tilespmem:s23], [sflag:s25] =	stream.linear.gather @!p1 [hbm4b:s21+s18], $0x50, $0x38;
	[tilespmem:$0x1E880] =	vst v63  }
0x74: {  	_ = 	snop  }
0x75: {  	[tilespmem:s19], [sflag:s22] =	stream.linear.gather @!p1 [hbm4b:s20+s18], $0x50, $0x38;
	[tilespmem:$0x1E880] =	vst v63  }
0x76: {  	_ =	swait.ge [sflag:s6], $0x2800  }
0x77: {  	[sflag:s6] =	ssyncset.done $0x0  }
0x78: {  	[sflag:s6] =	ssyncadd.s32 $0xFFFFD800  }
0x79: {  	_ =	swait.ge [sflag:s7], $0x2800  }
0x7a: {  	[sflag:s7] =	ssyncset.done $0x0  }
0x7b: {  	[sflag:s7] =	ssyncadd.s32 $0xFFFFD800  }
0x7c: {  	_ =	swait.ge [sflag:s8], $0x2800  }
0x7d: {  	[sflag:s8] =	ssyncset.done $0x0  }
0x7e: {  	[sflag:s8] =	ssyncadd.s32 $0xFFFFD800  }
0x7f: {  	_ =	swait.ge [sflag:s9], $0x2800  }
0x80: {  	[sflag:s9] =	ssyncset.done $0x0  }
0x81: {  	[sflag:s9] =	ssyncadd.s32 $0xFFFFD800  }
0x82: {  	[bflag:$0x0] =	sbarrier.arrive $0xFFFF  }
0x83: {  	s0 =	rddreg [dreg:$0xd]  }
0x84: {  	[hbm:s0], [sflag:s15] =	dma.local [spmem:s11], $0x2780  }
0x85: {  	_ =	swait.ge [sflag:s30], $0x2780  }
0x86: {  	s10 =	sadd.s32 $0x1, s10;
	s28 =	rddreg [dreg:$0xe]  }
0x87: {  	p0 =	sne.s32 s10, s28  }
.Ltmp1:
0x88: {  	_ = 	snop;
	(pc) =	sbr.rel @p0 .LBB2_1-.Ltmp1, $3  }
0x89: {  	_ =	sdelay $0x1  }
0x8a: {  	[sflag:s30] =	ssyncset.done $0x0  }
0x8b: {  	[sflag:s30] =	ssyncadd.s32 $0xFFFFD880  }
0x8c: {  	_ =	sfence.sel $0x180000  }
0x8d: {  	[bflag:$0x0] =	sbarrier.arrive $0xFFFF  }
0x8e: {  	_ =	strace $0x9000004A  }
0x8f: {  	s0 =	stileid.u32;
	[bflag:$0x2] =	sbarrier.arrive $0xFFFF  }
0x90: {  	p0 =	sne.s32 s0, $0x0;
	s0 =	rddreg [dreg:$0x2]  }
0x91: {  	s0 =	sadd.s32 @!p0 $0x100000, s0  }
0x92: {  	[sflag:s0] =	ssyncadd.tile.s32 @!p0 $0x1;
	_ =	shalt  }
.Lfunc_end2:
_tile_overlayer_lowered:
.L_overlay_start_2:
0x93: {  	(tag) =	ssettag $0x2  }
0x94: {  	s0 =	rddreg [dreg:$0x0];
	s2 =	stileid.u32  }
0x95: {  	s1 =	rddreg [dreg:$0x1];
	p0 =	sne.s32 s2, $0x0  }
0x96: {  	s3 =	rddreg [dreg:$0x2];
	[bflag:$0x3] =	sbarrier.arrive $0xFFFF;
	s2 =	simm.s32 @!p0 $0x1C19  }
0x97: {  	[timem:s3], [sflag:s2] =	dma.local @!p0 [hbm:s0], s1  }
0x98: {  	s0 =	simm.s32 @!p0 $0x19  }
0x99: {  	_ =	swait.ge @!p0 [sflag:s0], s1  }
0x9a: {  	s1 =	ssub.s32 @!p0 $0x0, s1;
	[sflag:s0] =	ssyncset.done @!p0 $0x0  }
0x9b: {  	[sflag:s0] =	ssyncadd.s32 @!p0 s1  }
0x9c: {  	[bflag:$0x3] =	sbarrier.arrive $0xFFFF  }
0x9d: {  	_ =	shalt  }

</sc_bundles>
